<compile_context>
chip_gen: v7x
topology: tpu7x:2x2x1
jax: 0.10.2.dev20260603
libtpu: 0.0.44.dev20260713+nightly
codegen_flags: <defaults>
</compile_context>

<pallas_src>
import functools

import jax
import jax.numpy as jnp
from jax import lax
from jax.experimental import pallas as pl
from jax.experimental.pallas import tpu as pltpu
from jax.experimental.pallas import tpu_sc as plsc

_NC = 2
_NS = 16
_NW = _NC * _NS
_LANES = 16
_IDX_CHUNK = 128


def _make_sc_kernel(batch, dim):
    assert batch % (8 * _NW) == 0
    assert dim == 2 * _LANES
    b_per_w = batch // _NW
    n_chunks = b_per_w // _IDX_CHUNK
    mesh = plsc.VectorSubcoreMesh(core_axis_name="c", subcore_axis_name="s")

    @functools.partial(
        pl.kernel,
        mesh=mesh,
        compiler_params=pltpu.CompilerParams(use_tc_tiling_on_sc=False,
                                             needs_layout_passes=False),
        out_type=jax.ShapeDtypeStruct((batch,), jnp.float32),
        scratch_types=[
            pltpu.VMEM((b_per_w,), jnp.int32),
            pltpu.VMEM((b_per_w,), jnp.int32),
            pltpu.VMEM((b_per_w, dim), jnp.float32),
            pltpu.VMEM((b_per_w, dim), jnp.float32),
            pltpu.VMEM((b_per_w,), jnp.float32),
            pltpu.VMEM((_LANES * _LANES,), jnp.float32),
            pltpu.SemaphoreType.DMA,
            pltpu.SemaphoreType.DMA,
        ],
    )
    def sc_kernel(uid_hbm, iid_hbm, utab_hbm, itab_hbm, out_hbm,
                  uidx_v, iidx_v, urows_v, irows_v, out_v, stage_v,
                  usem, isem):
        wid = lax.axis_index("s") * _NC + lax.axis_index("c")
        base = wid * b_per_w

        pltpu.sync_copy(uid_hbm.at[pl.ds(base, b_per_w)], uidx_v)
        pltpu.sync_copy(iid_hbm.at[pl.ds(base, b_per_w)], iidx_v)

        for j in range(n_chunks):
            sl = pl.ds(j * _IDX_CHUNK, _IDX_CHUNK)
            pltpu.async_copy(utab_hbm.at[uidx_v.at[sl]], urows_v.at[sl], usem)
            pltpu.async_copy(itab_hbm.at[iidx_v.at[sl]], irows_v.at[sl], isem)
        pltpu.make_async_copy(utab_hbm.at[pl.ds(0, b_per_w)], urows_v,
                              usem).wait()
        pltpu.make_async_copy(itab_hbm.at[pl.ds(0, b_per_w)], irows_v,
                              isem).wait()

        lane_iota = lax.iota(jnp.int32, _LANES)
        col_base = lane_iota * _LANES

        def body(g, _):
            row0 = g * _LANES
            for rl in range(_LANES):
                u0 = urows_v[row0 + rl, pl.ds(0, _LANES)]
                i0 = irows_v[row0 + rl, pl.ds(0, _LANES)]
                u1 = urows_v[row0 + rl, pl.ds(_LANES, _LANES)]
                i1 = irows_v[row0 + rl, pl.ds(_LANES, _LANES)]
                stage_v[pl.ds(rl * _LANES, _LANES)] = u0 * i0 + u1 * i1
            acc = plsc.load_gather(stage_v, [col_base])
            for c in range(1, _LANES):
                acc = acc + plsc.load_gather(stage_v, [col_base + c])
            out_v[pl.ds(row0, _LANES)] = acc
            return 0

        lax.fori_loop(0, b_per_w // _LANES, body, 0)

        pltpu.sync_copy(out_v, out_hbm.at[pl.ds(base, b_per_w)])

    return sc_kernel


@jax.jit
def kernel(user_id, item_id, user_table, item_table):
    batch = user_id.shape[0]
    dim = user_table.shape[1]
    fn = _make_sc_kernel(batch, dim)
    return fn(user_id, item_id, user_table, item_table)

# --- scband reference (transcript-rebuilt; emitter-appended) ---
"""Pipeline reference for scband-matrix-factorization-19808389169612 (READ-ONLY COPY).

The authoritative reference and input builder live on the scoring server;
editing this copy changes nothing except your own understanding.
"""

import jax, jax.numpy as jnp
import numpy as np

NO_USERS = 1000000
NO_ITEMS = 1000000
EMBED_DIM = 32
BATCH = 16384


def setup_inputs(seed: int = 0) -> dict:
    key = jax.random.key(seed)
    k1, k2, k3, k4 = jax.random.split(key, 4)
    user_id = jax.random.randint(k1, (BATCH,), 0, NO_USERS, dtype=jnp.int64 if jax.config.jax_enable_x64 else jnp.int32).astype(jnp.int32)
    item_id = jax.random.randint(k2, (BATCH,), 0, NO_ITEMS, dtype=jnp.int64 if jax.config.jax_enable_x64 else jnp.int32).astype(jnp.int32)
    user_table = jax.random.normal(k3, (NO_USERS, EMBED_DIM), dtype=jnp.float32)
    item_table = jax.random.normal(k4, (NO_ITEMS, EMBED_DIM), dtype=jnp.float32)
    return {"user_id": user_id, "item_id": item_id, "user_table": user_table, "item_table": item_table}


def reference(user_id, item_id, user_table, item_table):
    u = jnp.take(user_table, user_id, axis=0)
    i = jnp.take(item_table, item_id, axis=0)
    return jnp.sum(u * i, axis=1)

if __name__ == "__main__":
    import jax
    _d = setup_inputs()
    print(jax.jit(kernel)(*tuple(_d.values())))

</pallas_src>

<mosaic_0001>
#map = affine_map<(d0, d1) -> (0)>
#map1 = affine_map<(d0, d1) -> (0, 0)>
module attributes {stable_mosaic.version = 14 : i64} {
  func.func @sc_kernel(%arg0: i32, %arg1: i32, %arg2: memref<16384xi32, #tpu.memory_space<hbm>>, %arg3: memref<16384xi32, #tpu.memory_space<hbm>>, %arg4: memref<1000000x32xf32, #tpu.memory_space<hbm>>, %arg5: memref<1000000x32xf32, #tpu.memory_space<hbm>>, %arg6: memref<16384xf32, #tpu.memory_space<hbm>>, %arg7: memref<512xi32, #tpu.memory_space<vmem>>, %arg8: memref<512xi32, #tpu.memory_space<vmem>>, %arg9: memref<512x32xf32, #tpu.memory_space<vmem>>, %arg10: memref<512x32xf32, #tpu.memory_space<vmem>>, %arg11: memref<512xf32, #tpu.memory_space<vmem>>, %arg12: memref<256xf32, #tpu.memory_space<vmem>>, %arg13: memref<!tpu.dma_semaphore, #tpu.memory_space<semaphore_mem>>, %arg14: memref<!tpu.dma_semaphore, #tpu.memory_space<semaphore_mem>>) attributes {dimension_semantics = [#tpu.dimension_semantics<core_parallel>, #tpu.dimension_semantics<subcore_parallel>], iteration_bounds = array<i64: 2, 16>, scalar_prefetch = 0 : i64, scratch_operands = 8 : i64, tpu.core_type = #tpu.core_type<sc_vector_subcore>, window_params = [{transform_indices = #map}, {transform_indices = #map}, {transform_indices = #map1}, {transform_indices = #map1}, {transform_indices = #map}]} {
    %mul3A = arith.constant 2 : i32
    %mul3A_0 = arith.muli %arg1, %mul3A : i32
    %add3A = arith.addi %mul3A_0, %arg0 : i32
    %mul3A_1 = arith.constant 512 : i32
    %mul3A_2 = arith.muli %add3A, %mul3A_1 : i32
    "tpu.region"() ({
      %run_scoped3A = tpu.sem_alloc : memref<!tpu.dma_semaphore, #tpu.memory_space<semaphore_mem>>
      %dma_start3A_86 = tpu.memref_slice %arg2[%mul3A_2] : memref<16384xi32, #tpu.memory_space<hbm>> -> memref<512xi32, #tpu.memory_space<hbm>>
      %dma_start3A_87 = tpu.memref_slice %arg2[%mul3A_2] : memref<16384xi32, #tpu.memory_space<hbm>> -> memref<512xi32, #tpu.memory_space<hbm>>
      tpu.enqueue_dma source(%dma_start3A_87 : memref<512xi32, #tpu.memory_space<hbm>>) target(%arg7 : memref<512xi32, #tpu.memory_space<vmem>>) target_semaphore(%run_scoped3A : memref<!tpu.dma_semaphore, #tpu.memory_space<semaphore_mem>>)
      %dma_wait3A_88 = tpu.memref_slice %arg2[%mul3A_2] : memref<16384xi32, #tpu.memory_space<hbm>> -> memref<512xi32, #tpu.memory_space<hbm>>
      %dma_wait3A_89 = tpu.memref_slice %arg2[%mul3A_2] : memref<16384xi32, #tpu.memory_space<hbm>> -> memref<512xi32, #tpu.memory_space<hbm>>
      tpu.wait_dma2 semaphore(%run_scoped3A : memref<!tpu.dma_semaphore, #tpu.memory_space<semaphore_mem>>) src(%dma_wait3A_89 : memref<512xi32, #tpu.memory_space<hbm>>) dst(%arg7 : memref<512xi32, #tpu.memory_space<vmem>>)
      tpu.yield
    }) : () -> ()
    "tpu.region"() ({
      %run_scoped3A = tpu.sem_alloc : memref<!tpu.dma_semaphore, #tpu.memory_space<semaphore_mem>>
      %dma_start3A_86 = tpu.memref_slice %arg3[%mul3A_2] : memref<16384xi32, #tpu.memory_space<hbm>> -> memref<512xi32, #tpu.memory_space<hbm>>
      %dma_start3A_87 = tpu.memref_slice %arg3[%mul3A_2] : memref<16384xi32, #tpu.memory_space<hbm>> -> memref<512xi32, #tpu.memory_space<hbm>>
      tpu.enqueue_dma source(%dma_start3A_87 : memref<512xi32, #tpu.memory_space<hbm>>) target(%arg8 : memref<512xi32, #tpu.memory_space<vmem>>) target_semaphore(%run_scoped3A : memref<!tpu.dma_semaphore, #tpu.memory_space<semaphore_mem>>)
      %dma_wait3A_88 = tpu.memref_slice %arg3[%mul3A_2] : memref<16384xi32, #tpu.memory_space<hbm>> -> memref<512xi32, #tpu.memory_space<hbm>>
      %dma_wait3A_89 = tpu.memref_slice %arg3[%mul3A_2] : memref<16384xi32, #tpu.memory_space<hbm>> -> memref<512xi32, #tpu.memory_space<hbm>>
      tpu.wait_dma2 semaphore(%run_scoped3A : memref<!tpu.dma_semaphore, #tpu.memory_space<semaphore_mem>>) src(%dma_wait3A_89 : memref<512xi32, #tpu.memory_space<hbm>>) dst(%arg8 : memref<512xi32, #tpu.memory_space<vmem>>)
      tpu.yield
    }) : () -> ()
    %dma_start3A = arith.constant 0 : i32
    %dma_start3A_3 = arith.constant 0 : i32
    %dma_start3A_4 = tpu.memref_slice %arg9[%dma_start3A, %dma_start3A_3] : memref<512x32xf32, #tpu.memory_space<vmem>> -> memref<128x32xf32, #tpu.memory_space<vmem>>
    %dma_start3A_5 = arith.constant 0 : i32
    %dma_start3A_6 = tpu.memref_slice %arg7[%dma_start3A_5] : memref<512xi32, #tpu.memory_space<vmem>> -> memref<128xi32, #tpu.memory_space<vmem>>
    %dma_start3A_7 = arith.constant 0 : i32
    %dma_start3A_8 = arith.constant 0 : i32
    %dma_start3A_9 = tpu.memref_slice %arg4[%dma_start3A_7, %dma_start3A_8] : memref<1000000x32xf32, #tpu.memory_space<hbm>> -> memref<1000000x32xf32, #tpu.memory_space<hbm>>
    tpu.enqueue_indirect_dma source(%dma_start3A_9 : memref<1000000x32xf32, #tpu.memory_space<hbm>>) target(%dma_start3A_4 : memref<128x32xf32, #tpu.memory_space<vmem>>) offsets(%dma_start3A_6 : memref<128xi32, #tpu.memory_space<vmem>>) semaphore(%arg13 : memref<!tpu.dma_semaphore, #tpu.memory_space<semaphore_mem>>)
    %dma_start3A_10 = arith.constant 0 : i32
    %dma_start3A_11 = arith.constant 0 : i32
    %dma_start3A_12 = tpu.memref_slice %arg10[%dma_start3A_10, %dma_start3A_11] : memref<512x32xf32, #tpu.memory_space<vmem>> -> memref<128x32xf32, #tpu.memory_space<vmem>>
    %dma_start3A_13 = arith.constant 0 : i32
    %dma_start3A_14 = tpu.memref_slice %arg8[%dma_start3A_13] : memref<512xi32, #tpu.memory_space<vmem>> -> memref<128xi32, #tpu.memory_space<vmem>>
    %dma_start3A_15 = arith.constant 0 : i32
    %dma_start3A_16 = arith.constant 0 : i32
    %dma_start3A_17 = tpu.memref_slice %arg5[%dma_start3A_15, %dma_start3A_16] : memref<1000000x32xf32, #tpu.memory_space<hbm>> -> memref<1000000x32xf32, #tpu.memory_space<hbm>>
    tpu.enqueue_indirect_dma source(%dma_start3A_17 : memref<1000000x32xf32, #tpu.memory_space<hbm>>) target(%dma_start3A_12 : memref<128x32xf32, #tpu.memory_space<vmem>>) offsets(%dma_start3A_14 : memref<128xi32, #tpu.memory_space<vmem>>) semaphore(%arg14 : memref<!tpu.dma_semaphore, #tpu.memory_space<semaphore_mem>>)
    %dma_start3A_18 = arith.constant 128 : i32
    %dma_start3A_19 = arith.constant 0 : i32
    %dma_start3A_20 = tpu.memref_slice %arg9[%dma_start3A_18, %dma_start3A_19] : memref<512x32xf32, #tpu.memory_space<vmem>> -> memref<128x32xf32, #tpu.memory_space<vmem>>
    %dma_start3A_21 = arith.constant 128 : i32
    %dma_start3A_22 = tpu.memref_slice %arg7[%dma_start3A_21] : memref<512xi32, #tpu.memory_space<vmem>> -> memref<128xi32, #tpu.memory_space<vmem>>
    %dma_start3A_23 = arith.constant 0 : i32
    %dma_start3A_24 = arith.constant 0 : i32
    %dma_start3A_25 = tpu.memref_slice %arg4[%dma_start3A_23, %dma_start3A_24] : memref<1000000x32xf32, #tpu.memory_space<hbm>> -> memref<1000000x32xf32, #tpu.memory_space<hbm>>
    tpu.enqueue_indirect_dma source(%dma_start3A_25 : memref<1000000x32xf32, #tpu.memory_space<hbm>>) target(%dma_start3A_20 : memref<128x32xf32, #tpu.memory_space<vmem>>) offsets(%dma_start3A_22 : memref<128xi32, #tpu.memory_space<vmem>>) semaphore(%arg13 : memref<!tpu.dma_semaphore, #tpu.memory_space<semaphore_mem>>)
    %dma_start3A_26 = arith.constant 128 : i32
    %dma_start3A_27 = arith.constant 0 : i32
    %dma_start3A_28 = tpu.memref_slice %arg10[%dma_start3A_26, %dma_start3A_27] : memref<512x32xf32, #tpu.memory_space<vmem>> -> memref<128x32xf32, #tpu.memory_space<vmem>>
    %dma_start3A_29 = arith.constant 128 : i32
    %dma_start3A_30 = tpu.memref_slice %arg8[%dma_start3A_29] : memref<512xi32, #tpu.memory_space<vmem>> -> memref<128xi32, #tpu.memory_space<vmem>>
    %dma_start3A_31 = arith.constant 0 : i32
    %dma_start3A_32 = arith.constant 0 : i32
    %dma_start3A_33 = tpu.memref_slice %arg5[%dma_start3A_31, %dma_start3A_32] : memref<1000000x32xf32, #tpu.memory_space<hbm>> -> memref<1000000x32xf32, #tpu.memory_space<hbm>>
    tpu.enqueue_indirect_dma source(%dma_start3A_33 : memref<1000000x32xf32, #tpu.memory_space<hbm>>) target(%dma_start3A_28 : memref<128x32xf32, #tpu.memory_space<vmem>>) offsets(%dma_start3A_30 : memref<128xi32, #tpu.memory_space<vmem>>) semaphore(%arg14 : memref<!tpu.dma_semaphore, #tpu.memory_space<semaphore_mem>>)
    %dma_start3A_34 = arith.constant 256 : i32
    %dma_start3A_35 = arith.constant 0 : i32
    %dma_start3A_36 = tpu.memref_slice %arg9[%dma_start3A_34, %dma_start3A_35] : memref<512x32xf32, #tpu.memory_space<vmem>> -> memref<128x32xf32, #tpu.memory_space<vmem>>
    %dma_start3A_37 = arith.constant 256 : i32
    %dma_start3A_38 = tpu.memref_slice %arg7[%dma_start3A_37] : memref<512xi32, #tpu.memory_space<vmem>> -> memref<128xi32, #tpu.memory_space<vmem>>
    %dma_start3A_39 = arith.constant 0 : i32
    %dma_start3A_40 = arith.constant 0 : i32
    %dma_start3A_41 = tpu.memref_slice %arg4[%dma_start3A_39, %dma_start3A_40] : memref<1000000x32xf32, #tpu.memory_space<hbm>> -> memref<1000000x32xf32, #tpu.memory_space<hbm>>
    tpu.enqueue_indirect_dma source(%dma_start3A_41 : memref<1000000x32xf32, #tpu.memory_space<hbm>>) target(%dma_start3A_36 : memref<128x32xf32, #tpu.memory_space<vmem>>) offsets(%dma_start3A_38 : memref<128xi32, #tpu.memory_space<vmem>>) semaphore(%arg13 : memref<!tpu.dma_semaphore, #tpu.memory_space<semaphore_mem>>)
    %dma_start3A_42 = arith.constant 256 : i32
    %dma_start3A_43 = arith.constant 0 : i32
    %dma_start3A_44 = tpu.memref_slice %arg10[%dma_start3A_42, %dma_start3A_43] : memref<512x32xf32, #tpu.memory_space<vmem>> -> memref<128x32xf32, #tpu.memory_space<vmem>>
    %dma_start3A_45 = arith.constant 256 : i32
    %dma_start3A_46 = tpu.memref_slice %arg8[%dma_start3A_45] : memref<512xi32, #tpu.memory_space<vmem>> -> memref<128xi32, #tpu.memory_space<vmem>>
    %dma_start3A_47 = arith.constant 0 : i32
    %dma_start3A_48 = arith.constant 0 : i32
    %dma_start3A_49 = tpu.memref_slice %arg5[%dma_start3A_47, %dma_start3A_48] : memref<1000000x32xf32, #tpu.memory_space<hbm>> -> memref<1000000x32xf32, #tpu.memory_space<hbm>>
    tpu.enqueue_indirect_dma source(%dma_start3A_49 : memref<1000000x32xf32, #tpu.memory_space<hbm>>) target(%dma_start3A_44 : memref<128x32xf32, #tpu.memory_space<vmem>>) offsets(%dma_start3A_46 : memref<128xi32, #tpu.memory_space<vmem>>) semaphore(%arg14 : memref<!tpu.dma_semaphore, #tpu.memory_space<semaphore_mem>>)
    %dma_start3A_50 = arith.constant 384 : i32
    %dma_start3A_51 = arith.constant 0 : i32
    %dma_start3A_52 = tpu.memref_slice %arg9[%dma_start3A_50, %dma_start3A_51] : memref<512x32xf32, #tpu.memory_space<vmem>> -> memref<128x32xf32, #tpu.memory_space<vmem>>
    %dma_start3A_53 = arith.constant 384 : i32
    %dma_start3A_54 = tpu.memref_slice %arg7[%dma_start3A_53] : memref<512xi32, #tpu.memory_space<vmem>> -> memref<128xi32, #tpu.memory_space<vmem>>
    %dma_start3A_55 = arith.constant 0 : i32
    %dma_start3A_56 = arith.constant 0 : i32
    %dma_start3A_57 = tpu.memref_slice %arg4[%dma_start3A_55, %dma_start3A_56] : memref<1000000x32xf32, #tpu.memory_space<hbm>> -> memref<1000000x32xf32, #tpu.memory_space<hbm>>
    tpu.enqueue_indirect_dma source(%dma_start3A_57 : memref<1000000x32xf32, #tpu.memory_space<hbm>>) target(%dma_start3A_52 : memref<128x32xf32, #tpu.memory_space<vmem>>) offsets(%dma_start3A_54 : memref<128xi32, #tpu.memory_space<vmem>>) semaphore(%arg13 : memref<!tpu.dma_semaphore, #tpu.memory_space<semaphore_mem>>)
    %dma_start3A_58 = arith.constant 384 : i32
    %dma_start3A_59 = arith.constant 0 : i32
    %dma_start3A_60 = tpu.memref_slice %arg10[%dma_start3A_58, %dma_start3A_59] : memref<512x32xf32, #tpu.memory_space<vmem>> -> memref<128x32xf32, #tpu.memory_space<vmem>>
    %dma_start3A_61 = arith.constant 384 : i32
    %dma_start3A_62 = tpu.memref_slice %arg8[%dma_start3A_61] : memref<512xi32, #tpu.memory_space<vmem>> -> memref<128xi32, #tpu.memory_space<vmem>>
    %dma_start3A_63 = arith.constant 0 : i32
    %dma_start3A_64 = arith.constant 0 : i32
    %dma_start3A_65 = tpu.memref_slice %arg5[%dma_start3A_63, %dma_start3A_64] : memref<1000000x32xf32, #tpu.memory_space<hbm>> -> memref<1000000x32xf32, #tpu.memory_space<hbm>>
    tpu.enqueue_indirect_dma source(%dma_start3A_65 : memref<1000000x32xf32, #tpu.memory_space<hbm>>) target(%dma_start3A_60 : memref<128x32xf32, #tpu.memory_space<vmem>>) offsets(%dma_start3A_62 : memref<128xi32, #tpu.memory_space<vmem>>) semaphore(%arg14 : memref<!tpu.dma_semaphore, #tpu.memory_space<semaphore_mem>>)
    %dma_wait3A = arith.constant 0 : i32
    %dma_wait3A_66 = arith.constant 0 : i32
    %dma_wait3A_67 = tpu.memref_slice %arg4[%dma_wait3A, %dma_wait3A_66] : memref<1000000x32xf32, #tpu.memory_space<hbm>> -> memref<512x32xf32, #tpu.memory_space<hbm>>
    %dma_wait3A_68 = arith.constant 0 : i32
    %dma_wait3A_69 = arith.constant 0 : i32
    %dma_wait3A_70 = tpu.memref_slice %arg4[%dma_wait3A_68, %dma_wait3A_69] : memref<1000000x32xf32, #tpu.memory_space<hbm>> -> memref<512x32xf32, #tpu.memory_space<hbm>>
    tpu.wait_dma2 semaphore(%arg13 : memref<!tpu.dma_semaphore, #tpu.memory_space<semaphore_mem>>) src(%dma_wait3A_70 : memref<512x32xf32, #tpu.memory_space<hbm>>) dst(%arg9 : memref<512x32xf32, #tpu.memory_space<vmem>>)
    %dma_wait3A_71 = arith.constant 0 : i32
    %dma_wait3A_72 = arith.constant 0 : i32
    %dma_wait3A_73 = tpu.memref_slice %arg5[%dma_wait3A_71, %dma_wait3A_72] : memref<1000000x32xf32, #tpu.memory_space<hbm>> -> memref<512x32xf32, #tpu.memory_space<hbm>>
    %dma_wait3A_74 = arith.constant 0 : i32
    %dma_wait3A_75 = arith.constant 0 : i32
    %dma_wait3A_76 = tpu.memref_slice %arg5[%dma_wait3A_74, %dma_wait3A_75] : memref<1000000x32xf32, #tpu.memory_space<hbm>> -> memref<512x32xf32, #tpu.memory_space<hbm>>
    tpu.wait_dma2 semaphore(%arg14 : memref<!tpu.dma_semaphore, #tpu.memory_space<semaphore_mem>>) src(%dma_wait3A_76 : memref<512x32xf32, #tpu.memory_space<hbm>>) dst(%arg10 : memref<512x32xf32, #tpu.memory_space<vmem>>)
    %iota3A = tpu.iota {dimensions = array<i32: 0>} : vector<16xi32>
    %mul3A_77 = arith.constant 16 : i32
    %mul3A_78 = vector.broadcast %mul3A_77 : i32 to vector<16xi32>
    %mul3A_79 = arith.muli %iota3A, %mul3A_78 : vector<16xi32>
    %scan3A = arith.constant 0 : i32
    %scan3A_80 = arith.constant 0 : i32
    %scan3A_81 = arith.constant 32 : i32
    %scan3A_82 = arith.addi %scan3A_80, %scan3A_81 : i32
    %scan3A_83 = arith.constant 1 : i32
    %scan3A_84 = scf.for %scan3A_86 = %scan3A_80 to %scan3A_82 step %scan3A_83 iter_args(%scan3A_87 = %scan3A) -> (i32)  : i32 {
      %mul3A_88 = arith.constant 16 : i32
      %mul3A_89 = arith.muli %scan3A_86, %mul3A_88 : i32
      %add3A_90 = arith.constant 0 : i32
      %add3A_91 = arith.addi %mul3A_89, %add3A_90 : i32
      %get3A = arith.index_cast %add3A_91 : i32 to index
      %get3A_92 = arith.constant 0 : index
      %get3A_93 = tpu.vector_load %arg9[%get3A, %get3A_92] {strides = array<i32>} : memref<512x32xf32, #tpu.memory_space<vmem>>, vector<16xf32>,
      %add3A_94 = arith.constant 0 : i32
      %add3A_95 = arith.addi %mul3A_89, %add3A_94 : i32
      %get3A_96 = arith.index_cast %add3A_95 : i32 to index
      %get3A_97 = arith.constant 0 : index
      %get3A_98 = tpu.vector_load %arg10[%get3A_96, %get3A_97] {strides = array<i32>} : memref<512x32xf32, #tpu.memory_space<vmem>>, vector<16xf32>,
      %add3A_99 = arith.constant 0 : i32
      %add3A_100 = arith.addi %mul3A_89, %add3A_99 : i32
      %get3A_101 = arith.index_cast %add3A_100 : i32 to index
      %get3A_102 = arith.constant 16 : index
      %get3A_103 = tpu.vector_load %arg9[%get3A_101, %get3A_102] {strides = array<i32>} : memref<512x32xf32, #tpu.memory_space<vmem>>, vector<16xf32>,
      %add3A_104 = arith.constant 0 : i32
      %add3A_105 = arith.addi %mul3A_89, %add3A_104 : i32
      %get3A_106 = arith.index_cast %add3A_105 : i32 to index
      %get3A_107 = arith.constant 16 : index
      %get3A_108 = tpu.vector_load %arg10[%get3A_106, %get3A_107] {strides = array<i32>} : memref<512x32xf32, #tpu.memory_space<vmem>>, vector<16xf32>,
      %mul3A_109 = arith.mulf %get3A_93, %get3A_98 : vector<16xf32>
      %mul3A_110 = arith.mulf %get3A_103, %get3A_108 : vector<16xf32>
      %add3A_111 = arith.addf %mul3A_109, %mul3A_110 : vector<16xf32>
      %swap3A = arith.constant 0 : index
      %swap3A_112 = tpu.vector_load %arg12[%swap3A] {strides = array<i32>} : memref<256xf32, #tpu.memory_space<vmem>>, vector<16xf32>,
      tpu.vector_store %arg12[%swap3A], %add3A_111 {strides = array<i32>} : memref<256xf32, #tpu.memory_space<vmem>>, vector<16xf32>,
      %add3A_113 = arith.constant 1 : i32
      %add3A_114 = arith.addi %mul3A_89, %add3A_113 : i32
      %get3A_115 = arith.index_cast %add3A_114 : i32 to index
      %get3A_116 = arith.constant 0 : index
      %get3A_117 = tpu.vector_load %arg9[%get3A_115, %get3A_116] {strides = array<i32>} : memref<512x32xf32, #tpu.memory_space<vmem>>, vector<16xf32>,
      %add3A_118 = arith.constant 1 : i32
      %add3A_119 = arith.addi %mul3A_89, %add3A_118 : i32
      %get3A_120 = arith.index_cast %add3A_119 : i32 to index
      %get3A_121 = arith.constant 0 : index
      %get3A_122 = tpu.vector_load %arg10[%get3A_120, %get3A_121] {strides = array<i32>} : memref<512x32xf32, #tpu.memory_space<vmem>>, vector<16xf32>,
      %add3A_123 = arith.constant 1 : i32
      %add3A_124 = arith.addi %mul3A_89, %add3A_123 : i32
      %get3A_125 = arith.index_cast %add3A_124 : i32 to index
      %get3A_126 = arith.constant 16 : index
      %get3A_127 = tpu.vector_load %arg9[%get3A_125, %get3A_126] {strides = array<i32>} : memref<512x32xf32, #tpu.memory_space<vmem>>, vector<16xf32>,
      %add3A_128 = arith.constant 1 : i32
      %add3A_129 = arith.addi %mul3A_89, %add3A_128 : i32
      %get3A_130 = arith.index_cast %add3A_129 : i32 to index
      %get3A_131 = arith.constant 16 : index
      %get3A_132 = tpu.vector_load %arg10[%get3A_130, %get3A_131] {strides = array<i32>} : memref<512x32xf32, #tpu.memory_space<vmem>>, vector<16xf32>,
      %mul3A_133 = arith.mulf %get3A_117, %get3A_122 : vector<16xf32>
      %mul3A_134 = arith.mulf %get3A_127, %get3A_132 : vector<16xf32>
      %add3A_135 = arith.addf %mul3A_133, %mul3A_134 : vector<16xf32>
      %swap3A_136 = arith.constant 16 : index
      %swap3A_137 = tpu.vector_load %arg12[%swap3A_136] {strides = array<i32>} : memref<256xf32, #tpu.memory_space<vmem>>, vector<16xf32>,
      tpu.vector_store %arg12[%swap3A_136], %add3A_135 {strides = array<i32>} : memref<256xf32, #tpu.memory_space<vmem>>, vector<16xf32>,
      %add3A_138 = arith.constant 2 : i32
      %add3A_139 = arith.addi %mul3A_89, %add3A_138 : i32
      %get3A_140 = arith.index_cast %add3A_139 : i32 to index
      %get3A_141 = arith.constant 0 : index
      %get3A_142 = tpu.vector_load %arg9[%get3A_140, %get3A_141] {strides = array<i32>} : memref<512x32xf32, #tpu.memory_space<vmem>>, vector<16xf32>,
      %add3A_143 = arith.constant 2 : i32
      %add3A_144 = arith.addi %mul3A_89, %add3A_143 : i32
      %get3A_145 = arith.index_cast %add3A_144 : i32 to index
      %get3A_146 = arith.constant 0 : index
      %get3A_147 = tpu.vector_load %arg10[%get3A_145, %get3A_146] {strides = array<i32>} : memref<512x32xf32, #tpu.memory_space<vmem>>, vector<16xf32>,
      %add3A_148 = arith.constant 2 : i32
      %add3A_149 = arith.addi %mul3A_89, %add3A_148 : i32
      %get3A_150 = arith.index_cast %add3A_149 : i32 to index
      %get3A_151 = arith.constant 16 : index
      %get3A_152 = tpu.vector_load %arg9[%get3A_150, %get3A_151] {strides = array<i32>} : memref<512x32xf32, #tpu.memory_space<vmem>>, vector<16xf32>,
      %add3A_153 = arith.constant 2 : i32
      %add3A_154 = arith.addi %mul3A_89, %add3A_153 : i32
      %get3A_155 = arith.index_cast %add3A_154 : i32 to index
      %get3A_156 = arith.constant 16 : index
      %get3A_157 = tpu.vector_load %arg10[%get3A_155, %get3A_156] {strides = array<i32>} : memref<512x32xf32, #tpu.memory_space<vmem>>, vector<16xf32>,
      %mul3A_158 = arith.mulf %get3A_142, %get3A_147 : vector<16xf32>
      %mul3A_159 = arith.mulf %get3A_152, %get3A_157 : vector<16xf32>
      %add3A_160 = arith.addf %mul3A_158, %mul3A_159 : vector<16xf32>
      %swap3A_161 = arith.constant 32 : index
      %swap3A_162 = tpu.vector_load %arg12[%swap3A_161] {strides = array<i32>} : memref<256xf32, #tpu.memory_space<vmem>>, vector<16xf32>,
      tpu.vector_store %arg12[%swap3A_161], %add3A_160 {strides = array<i32>} : memref<256xf32, #tpu.memory_space<vmem>>, vector<16xf32>,
      %add3A_163 = arith.constant 3 : i32
      %add3A_164 = arith.addi %mul3A_89, %add3A_163 : i32
      %get3A_165 = arith.index_cast %add3A_164 : i32 to index
      %get3A_166 = arith.constant 0 : index
      %get3A_167 = tpu.vector_load %arg9[%get3A_165, %get3A_166] {strides = array<i32>} : memref<512x32xf32, #tpu.memory_space<vmem>>, vector<16xf32>,
      %add3A_168 = arith.constant 3 : i32
      %add3A_169 = arith.addi %mul3A_89, %add3A_168 : i32
      %get3A_170 = arith.index_cast %add3A_169 : i32 to index
      %get3A_171 = arith.constant 0 : index
      %get3A_172 = tpu.vector_load %arg10[%get3A_170, %get3A_171] {strides = array<i32>} : memref<512x32xf32, #tpu.memory_space<vmem>>, vector<16xf32>,
      %add3A_173 = arith.constant 3 : i32
      %add3A_174 = arith.addi %mul3A_89, %add3A_173 : i32
      %get3A_175 = arith.index_cast %add3A_174 : i32 to index
      %get3A_176 = arith.constant 16 : index
      %get3A_177 = tpu.vector_load %arg9[%get3A_175, %get3A_176] {strides = array<i32>} : memref<512x32xf32, #tpu.memory_space<vmem>>, vector<16xf32>,
      %add3A_178 = arith.constant 3 : i32
      %add3A_179 = arith.addi %mul3A_89, %add3A_178 : i32
      %get3A_180 = arith.index_cast %add3A_179 : i32 to index
      %get3A_181 = arith.constant 16 : index
      %get3A_182 = tpu.vector_load %arg10[%get3A_180, %get3A_181] {strides = array<i32>} : memref<512x32xf32, #tpu.memory_space<vmem>>, vector<16xf32>,
      %mul3A_183 = arith.mulf %get3A_167, %get3A_172 : vector<16xf32>
      %mul3A_184 = arith.mulf %get3A_177, %get3A_182 : vector<16xf32>
      %add3A_185 = arith.addf %mul3A_183, %mul3A_184 : vector<16xf32>
      %swap3A_186 = arith.constant 48 : index
      %swap3A_187 = tpu.vector_load %arg12[%swap3A_186] {strides = array<i32>} : memref<256xf32, #tpu.memory_space<vmem>>, vector<16xf32>,
      tpu.vector_store %arg12[%swap3A_186], %add3A_185 {strides = array<i32>} : memref<256xf32, #tpu.memory_space<vmem>>, vector<16xf32>,
      %add3A_188 = arith.constant 4 : i32
      %add3A_189 = arith.addi %mul3A_89, %add3A_188 : i32
      %get3A_190 = arith.index_cast %add3A_189 : i32 to index
      %get3A_191 = arith.constant 0 : index
      %get3A_192 = tpu.vector_load %arg9[%get3A_190, %get3A_191] {strides = array<i32>} : memref<512x32xf32, #tpu.memory_space<vmem>>, vector<16xf32>,
      %add3A_193 = arith.constant 4 : i32
      %add3A_194 = arith.addi %mul3A_89, %add3A_193 : i32
      %get3A_195 = arith.index_cast %add3A_194 : i32 to index
      %get3A_196 = arith.constant 0 : index
      %get3A_197 = tpu.vector_load %arg10[%get3A_195, %get3A_196] {strides = array<i32>} : memref<512x32xf32, #tpu.memory_space<vmem>>, vector<16xf32>,
      %add3A_198 = arith.constant 4 : i32
      %add3A_199 = arith.addi %mul3A_89, %add3A_198 : i32
      %get3A_200 = arith.index_cast %add3A_199 : i32 to index
      %get3A_201 = arith.constant 16 : index
      %get3A_202 = tpu.vector_load %arg9[%get3A_200, %get3A_201] {strides = array<i32>} : memref<512x32xf32, #tpu.memory_space<vmem>>, vector<16xf32>,
      %add3A_203 = arith.constant 4 : i32
      %add3A_204 = arith.addi %mul3A_89, %add3A_203 : i32
      %get3A_205 = arith.index_cast %add3A_204 : i32 to index
      %get3A_206 = arith.constant 16 : index
      %get3A_207 = tpu.vector_load %arg10[%get3A_205, %get3A_206] {strides = array<i32>} : memref<512x32xf32, #tpu.memory_space<vmem>>, vector<16xf32>,
      %mul3A_208 = arith.mulf %get3A_192, %get3A_197 : vector<16xf32>
      %mul3A_209 = arith.mulf %get3A_202, %get3A_207 : vector<16xf32>
      %add3A_210 = arith.addf %mul3A_208, %mul3A_209 : vector<16xf32>
      %swap3A_211 = arith.constant 64 : index
      %swap3A_212 = tpu.vector_load %arg12[%swap3A_211] {strides = array<i32>} : memref<256xf32, #tpu.memory_space<vmem>>, vector<16xf32>,
      tpu.vector_store %arg12[%swap3A_211], %add3A_210 {strides = array<i32>} : memref<256xf32, #tpu.memory_space<vmem>>, vector<16xf32>,
      %add3A_213 = arith.constant 5 : i32
      %add3A_214 = arith.addi %mul3A_89, %add3A_213 : i32
      %get3A_215 = arith.index_cast %add3A_214 : i32 to index
      %get3A_216 = arith.constant 0 : index
      %get3A_217 = tpu.vector_load %arg9[%get3A_215, %get3A_216] {strides = array<i32>} : memref<512x32xf32, #tpu.memory_space<vmem>>, vector<16xf32>,
      %add3A_218 = arith.constant 5 : i32
      %add3A_219 = arith.addi %mul3A_89, %add3A_218 : i32
      %get3A_220 = arith.index_cast %add3A_219 : i32 to index
      %get3A_221 = arith.constant 0 : index
      %get3A_222 = tpu.vector_load %arg10[%get3A_220, %get3A_221] {strides = array<i32>} : memref<512x32xf32, #tpu.memory_space<vmem>>, vector<16xf32>,
      %add3A_223 = arith.constant 5 : i32
      %add3A_224 = arith.addi %mul3A_89, %add3A_223 : i32
      %get3A_225 = arith.index_cast %add3A_224 : i32 to index
      %get3A_226 = arith.constant 16 : index
      %get3A_227 = tpu.vector_load %arg9[%get3A_225, %get3A_226] {strides = array<i32>} : memref<512x32xf32, #tpu.memory_space<vmem>>, vector<16xf32>,
      %add3A_228 = arith.constant 5 : i32
      %add3A_229 = arith.addi %mul3A_89, %add3A_228 : i32
      %get3A_230 = arith.index_cast %add3A_229 : i32 to index
      %get3A_231 = arith.constant 16 : index
      %get3A_232 = tpu.vector_load %arg10[%get3A_230, %get3A_231] {strides = array<i32>} : memref<512x32xf32, #tpu.memory_space<vmem>>, vector<16xf32>,
      %mul3A_233 = arith.mulf %get3A_217, %get3A_222 : vector<16xf32>
      %mul3A_234 = arith.mulf %get3A_227, %get3A_232 : vector<16xf32>
      %add3A_235 = arith.addf %mul3A_233, %mul3A_234 : vector<16xf32>
      %swap3A_236 = arith.constant 80 : index
      %swap3A_237 = tpu.vector_load %arg12[%swap3A_236] {strides = array<i32>} : memref<256xf32, #tpu.memory_space<vmem>>, vector<16xf32>,
      tpu.vector_store %arg12[%swap3A_236], %add3A_235 {strides = array<i32>} : memref<256xf32, #tpu.memory_space<vmem>>, vector<16xf32>,
      %add3A_238 = arith.constant 6 : i32
      %add3A_239 = arith.addi %mul3A_89, %add3A_238 : i32
      %get3A_240 = arith.index_cast %add3A_239 : i32 to index
      %get3A_241 = arith.constant 0 : index
      %get3A_242 = tpu.vector_load %arg9[%get3A_240, %get3A_241] {strides = array<i32>} : memref<512x32xf32, #tpu.memory_space<vmem>>, vector<16xf32>,
      %add3A_243 = arith.constant 6 : i32
      %add3A_244 = arith.addi %mul3A_89, %add3A_243 : i32
      %get3A_245 = arith.index_cast %add3A_244 : i32 to index
      %get3A_246 = arith.constant 0 : index
      %get3A_247 = tpu.vector_load %arg10[%get3A_245, %get3A_246] {strides = array<i32>} : memref<512x32xf32, #tpu.memory_space<vmem>>, vector<16xf32>,
      %add3A_248 = arith.constant 6 : i32
      %add3A_249 = arith.addi %mul3A_89, %add3A_248 : i32
      %get3A_250 = arith.index_cast %add3A_249 : i32 to index
      %get3A_251 = arith.constant 16 : index
      %get3A_252 = tpu.vector_load %arg9[%get3A_250, %get3A_251] {strides = array<i32>} : memref<512x32xf32, #tpu.memory_space<vmem>>, vector<16xf32>,
      %add3A_253 = arith.constant 6 : i32
      %add3A_254 = arith.addi %mul3A_89, %add3A_253 : i32
      %get3A_255 = arith.index_cast %add3A_254 : i32 to index
      %get3A_256 = arith.constant 16 : index
      %get3A_257 = tpu.vector_load %arg10[%get3A_255, %get3A_256] {strides = array<i32>} : memref<512x32xf32, #tpu.memory_space<vmem>>, vector<16xf32>,
      %mul3A_258 = arith.mulf %get3A_242, %get3A_247 : vector<16xf32>
      %mul3A_259 = arith.mulf %get3A_252, %get3A_257 : vector<16xf32>
      %add3A_260 = arith.addf %mul3A_258, %mul3A_259 : vector<16xf32>
      %swap3A_261 = arith.constant 96 : index
      %swap3A_262 = tpu.vector_load %arg12[%swap3A_261] {strides = array<i32>} : memref<256xf32, #tpu.memory_space<vmem>>, vector<16xf32>,
      tpu.vector_store %arg12[%swap3A_261], %add3A_260 {strides = array<i32>} : memref<256xf32, #tpu.memory_space<vmem>>, vector<16xf32>,
      %add3A_263 = arith.constant 7 : i32
      %add3A_264 = arith.addi %mul3A_89, %add3A_263 : i32
      %get3A_265 = arith.index_cast %add3A_264 : i32 to index
      %get3A_266 = arith.constant 0 : index
      %get3A_267 = tpu.vector_load %arg9[%get3A_265, %get3A_266] {strides = array<i32>} : memref<512x32xf32, #tpu.memory_space<vmem>>, vector<16xf32>,
      %add3A_268 = arith.constant 7 : i32
      %add3A_269 = arith.addi %mul3A_89, %add3A_268 : i32
      %get3A_270 = arith.index_cast %add3A_269 : i32 to index
      %get3A_271 = arith.constant 0 : index
      %get3A_272 = tpu.vector_load %arg10[%get3A_270, %get3A_271] {strides = array<i32>} : memref<512x32xf32, #tpu.memory_space<vmem>>, vector<16xf32>,
      %add3A_273 = arith.constant 7 : i32
      %add3A_274 = arith.addi %mul3A_89, %add3A_273 : i32
      %get3A_275 = arith.index_cast %add3A_274 : i32 to index
      %get3A_276 = arith.constant 16 : index
      %get3A_277 = tpu.vector_load %arg9[%get3A_275, %get3A_276] {strides = array<i32>} : memref<512x32xf32, #tpu.memory_space<vmem>>, vector<16xf32>,
      %add3A_278 = arith.constant 7 : i32
      %add3A_279 = arith.addi %mul3A_89, %add3A_278 : i32
      %get3A_280 = arith.index_cast %add3A_279 : i32 to index
      %get3A_281 = arith.constant 16 : index
      %get3A_282 = tpu.vector_load %arg10[%get3A_280, %get3A_281] {strides = array<i32>} : memref<512x32xf32, #tpu.memory_space<vmem>>, vector<16xf32>,
      %mul3A_283 = arith.mulf %get3A_267, %get3A_272 : vector<16xf32>
      %mul3A_284 = arith.mulf %get3A_277, %get3A_282 : vector<16xf32>
      %add3A_285 = arith.addf %mul3A_283, %mul3A_284 : vector<16xf32>
      %swap3A_286 = arith.constant 112 : index
      %swap3A_287 = tpu.vector_load %arg12[%swap3A_286] {strides = array<i32>} : memref<256xf32, #tpu.memory_space<vmem>>, vector<16xf32>,
      tpu.vector_store %arg12[%swap3A_286], %add3A_285 {strides = array<i32>} : memref<256xf32, #tpu.memory_space<vmem>>, vector<16xf32>,
      %add3A_288 = arith.constant 8 : i32
      %add3A_289 = arith.addi %mul3A_89, %add3A_288 : i32
      %get3A_290 = arith.index_cast %add3A_289 : i32 to index
      %get3A_291 = arith.constant 0 : index
      %get3A_292 = tpu.vector_load %arg9[%get3A_290, %get3A_291] {strides = array<i32>} : memref<512x32xf32, #tpu.memory_space<vmem>>, vector<16xf32>,
      %add3A_293 = arith.constant 8 : i32
      %add3A_294 = arith.addi %mul3A_89, %add3A_293 : i32
      %get3A_295 = arith.index_cast %add3A_294 : i32 to index
      %get3A_296 = arith.constant 0 : index
      %get3A_297 = tpu.vector_load %arg10[%get3A_295, %get3A_296] {strides = array<i32>} : memref<512x32xf32, #tpu.memory_space<vmem>>, vector<16xf32>,
      %add3A_298 = arith.constant 8 : i32
      %add3A_299 = arith.addi %mul3A_89, %add3A_298 : i32
      %get3A_300 = arith.index_cast %add3A_299 : i32 to index
      %get3A_301 = arith.constant 16 : index
      %get3A_302 = tpu.vector_load %arg9[%get3A_300, %get3A_301] {strides = array<i32>} : memref<512x32xf32, #tpu.memory_space<vmem>>, vector<16xf32>,
      %add3A_303 = arith.constant 8 : i32
      %add3A_304 = arith.addi %mul3A_89, %add3A_303 : i32
      %get3A_305 = arith.index_cast %add3A_304 : i32 to index
      %get3A_306 = arith.constant 16 : index
      %get3A_307 = tpu.vector_load %arg10[%get3A_305, %get3A_306] {strides = array<i32>} : memref<512x32xf32, #tpu.memory_space<vmem>>, vector<16xf32>,
      %mul3A_308 = arith.mulf %get3A_292, %get3A_297 : vector<16xf32>
      %mul3A_309 = arith.mulf %get3A_302, %get3A_307 : vector<16xf32>
      %add3A_310 = arith.addf %mul3A_308, %mul3A_309 : vector<16xf32>
      %swap3A_311 = arith.constant 128 : index
      %swap3A_312 = tpu.vector_load %arg12[%swap3A_311] {strides = array<i32>} : memref<256xf32, #tpu.memory_space<vmem>>, vector<16xf32>,
      tpu.vector_store %arg12[%swap3A_311], %add3A_310 {strides = array<i32>} : memref<256xf32, #tpu.memory_space<vmem>>, vector<16xf32>,
      %add3A_313 = arith.constant 9 : i32
      %add3A_314 = arith.addi %mul3A_89, %add3A_313 : i32
      %get3A_315 = arith.index_cast %add3A_314 : i32 to index
      %get3A_316 = arith.constant 0 : index
      %get3A_317 = tpu.vector_load %arg9[%get3A_315, %get3A_316] {strides = array<i32>} : memref<512x32xf32, #tpu.memory_space<vmem>>, vector<16xf32>,
      %add3A_318 = arith.constant 9 : i32
      %add3A_319 = arith.addi %mul3A_89, %add3A_318 : i32
      %get3A_320 = arith.index_cast %add3A_319 : i32 to index
      %get3A_321 = arith.constant 0 : index
      %get3A_322 = tpu.vector_load %arg10[%get3A_320, %get3A_321] {strides = array<i32>} : memref<512x32xf32, #tpu.memory_space<vmem>>, vector<16xf32>,
      %add3A_323 = arith.constant 9 : i32
      %add3A_324 = arith.addi %mul3A_89, %add3A_323 : i32
      %get3A_325 = arith.index_cast %add3A_324 : i32 to index
      %get3A_326 = arith.constant 16 : index
      %get3A_327 = tpu.vector_load %arg9[%get3A_325, %get3A_326] {strides = array<i32>} : memref<512x32xf32, #tpu.memory_space<vmem>>, vector<16xf32>,
      %add3A_328 = arith.constant 9 : i32
      %add3A_329 = arith.addi %mul3A_89, %add3A_328 : i32
      %get3A_330 = arith.index_cast %add3A_329 : i32 to index
      %get3A_331 = arith.constant 16 : index
      %get3A_332 = tpu.vector_load %arg10[%get3A_330, %get3A_331] {strides = array<i32>} : memref<512x32xf32, #tpu.memory_space<vmem>>, vector<16xf32>,
      %mul3A_333 = arith.mulf %get3A_317, %get3A_322 : vector<16xf32>
      %mul3A_334 = arith.mulf %get3A_327, %get3A_332 : vector<16xf32>
      %add3A_335 = arith.addf %mul3A_333, %mul3A_334 : vector<16xf32>
      %swap3A_336 = arith.constant 144 : index
      %swap3A_337 = tpu.vector_load %arg12[%swap3A_336] {strides = array<i32>} : memref<256xf32, #tpu.memory_space<vmem>>, vector<16xf32>,
      tpu.vector_store %arg12[%swap3A_336], %add3A_335 {strides = array<i32>} : memref<256xf32, #tpu.memory_space<vmem>>, vector<16xf32>,
      %add3A_338 = arith.constant 10 : i32
      %add3A_339 = arith.addi %mul3A_89, %add3A_338 : i32
      %get3A_340 = arith.index_cast %add3A_339 : i32 to index
      %get3A_341 = arith.constant 0 : index
      %get3A_342 = tpu.vector_load %arg9[%get3A_340, %get3A_341] {strides = array<i32>} : memref<512x32xf32, #tpu.memory_space<vmem>>, vector<16xf32>,
      %add3A_343 = arith.constant 10 : i32
      %add3A_344 = arith.addi %mul3A_89, %add3A_343 : i32
      %get3A_345 = arith.index_cast %add3A_344 : i32 to index
      %get3A_346 = arith.constant 0 : index
      %get3A_347 = tpu.vector_load %arg10[%get3A_345, %get3A_346] {strides = array<i32>} : memref<512x32xf32, #tpu.memory_space<vmem>>, vector<16xf32>,
      %add3A_348 = arith.constant 10 : i32
      %add3A_349 = arith.addi %mul3A_89, %add3A_348 : i32
      %get3A_350 = arith.index_cast %add3A_349 : i32 to index
      %get3A_351 = arith.constant 16 : index
      %get3A_352 = tpu.vector_load %arg9[%get3A_350, %get3A_351] {strides = array<i32>} : memref<512x32xf32, #tpu.memory_space<vmem>>, vector<16xf32>,
      %add3A_353 = arith.constant 10 : i32
      %add3A_354 = arith.addi %mul3A_89, %add3A_353 : i32
      %get3A_355 = arith.index_cast %add3A_354 : i32 to index
      %get3A_356 = arith.constant 16 : index
      %get3A_357 = tpu.vector_load %arg10[%get3A_355, %get3A_356] {strides = array<i32>} : memref<512x32xf32, #tpu.memory_space<vmem>>, vector<16xf32>,
      %mul3A_358 = arith.mulf %get3A_342, %get3A_347 : vector<16xf32>
      %mul3A_359 = arith.mulf %get3A_352, %get3A_357 : vector<16xf32>
      %add3A_360 = arith.addf %mul3A_358, %mul3A_359 : vector<16xf32>
      %swap3A_361 = arith.constant 160 : index
      %swap3A_362 = tpu.vector_load %arg12[%swap3A_361] {strides = array<i32>} : memref<256xf32, #tpu.memory_space<vmem>>, vector<16xf32>,
      tpu.vector_store %arg12[%swap3A_361], %add3A_360 {strides = array<i32>} : memref<256xf32, #tpu.memory_space<vmem>>, vector<16xf32>,
      %add3A_363 = arith.constant 11 : i32
      %add3A_364 = arith.addi %mul3A_89, %add3A_363 : i32
      %get3A_365 = arith.index_cast %add3A_364 : i32 to index
      %get3A_366 = arith.constant 0 : index
      %get3A_367 = tpu.vector_load %arg9[%get3A_365, %get3A_366] {strides = array<i32>} : memref<512x32xf32, #tpu.memory_space<vmem>>, vector<16xf32>,
      %add3A_368 = arith.constant 11 : i32
      %add3A_369 = arith.addi %mul3A_89, %add3A_368 : i32
      %get3A_370 = arith.index_cast %add3A_369 : i32 to index
      %get3A_371 = arith.constant 0 : index
      %get3A_372 = tpu.vector_load %arg10[%get3A_370, %get3A_371] {strides = array<i32>} : memref<512x32xf32, #tpu.memory_space<vmem>>, vector<16xf32>,
      %add3A_373 = arith.constant 11 : i32
      %add3A_374 = arith.addi %mul3A_89, %add3A_373 : i32
      %get3A_375 = arith.index_cast %add3A_374 : i32 to index
      %get3A_376 = arith.constant 16 : index
      %get3A_377 = tpu.vector_load %arg9[%get3A_375, %get3A_376] {strides = array<i32>} : memref<512x32xf32, #tpu.memory_space<vmem>>, vector<16xf32>,
      %add3A_378 = arith.constant 11 : i32
      %add3A_379 = arith.addi %mul3A_89, %add3A_378 : i32
      %get3A_380 = arith.index_cast %add3A_379 : i32 to index
      %get3A_381 = arith.constant 16 : index
      %get3A_382 = tpu.vector_load %arg10[%get3A_380, %get3A_381] {strides = array<i32>} : memref<512x32xf32, #tpu.memory_space<vmem>>, vector<16xf32>,
      %mul3A_383 = arith.mulf %get3A_367, %get3A_372 : vector<16xf32>
      %mul3A_384 = arith.mulf %get3A_377, %get3A_382 : vector<16xf32>
      %add3A_385 = arith.addf %mul3A_383, %mul3A_384 : vector<16xf32>
      %swap3A_386 = arith.constant 176 : index
      %swap3A_387 = tpu.vector_load %arg12[%swap3A_386] {strides = array<i32>} : memref<256xf32, #tpu.memory_space<vmem>>, vector<16xf32>,
      tpu.vector_store %arg12[%swap3A_386], %add3A_385 {strides = array<i32>} : memref<256xf32, #tpu.memory_space<vmem>>, vector<16xf32>,
      %add3A_388 = arith.constant 12 : i32
      %add3A_389 = arith.addi %mul3A_89, %add3A_388 : i32
      %get3A_390 = arith.index_cast %add3A_389 : i32 to index
      %get3A_391 = arith.constant 0 : index
      %get3A_392 = tpu.vector_load %arg9[%get3A_390, %get3A_391] {strides = array<i32>} : memref<512x32xf32, #tpu.memory_space<vmem>>, vector<16xf32>,
      %add3A_393 = arith.constant 12 : i32
      %add3A_394 = arith.addi %mul3A_89, %add3A_393 : i32
      %get3A_395 = arith.index_cast %add3A_394 : i32 to index
      %get3A_396 = arith.constant 0 : index
      %get3A_397 = tpu.vector_load %arg10[%get3A_395, %get3A_396] {strides = array<i32>} : memref<512x32xf32, #tpu.memory_space<vmem>>, vector<16xf32>,
      %add3A_398 = arith.constant 12 : i32
      %add3A_399 = arith.addi %mul3A_89, %add3A_398 : i32
      %get3A_400 = arith.index_cast %add3A_399 : i32 to index
      %get3A_401 = arith.constant 16 : index
      %get3A_402 = tpu.vector_load %arg9[%get3A_400, %get3A_401] {strides = array<i32>} : memref<512x32xf32, #tpu.memory_space<vmem>>, vector<16xf32>,
      %add3A_403 = arith.constant 12 : i32
      %add3A_404 = arith.addi %mul3A_89, %add3A_403 : i32
      %get3A_405 = arith.index_cast %add3A_404 : i32 to index
      %get3A_406 = arith.constant 16 : index
      %get3A_407 = tpu.vector_load %arg10[%get3A_405, %get3A_406] {strides = array<i32>} : memref<512x32xf32, #tpu.memory_space<vmem>>, vector<16xf32>,
      %mul3A_408 = arith.mulf %get3A_392, %get3A_397 : vector<16xf32>
      %mul3A_409 = arith.mulf %get3A_402, %get3A_407 : vector<16xf32>
      %add3A_410 = arith.addf %mul3A_408, %mul3A_409 : vector<16xf32>
      %swap3A_411 = arith.constant 192 : index
      %swap3A_412 = tpu.vector_load %arg12[%swap3A_411] {strides = array<i32>} : memref<256xf32, #tpu.memory_space<vmem>>, vector<16xf32>,
      tpu.vector_store %arg12[%swap3A_411], %add3A_410 {strides = array<i32>} : memref<256xf32, #tpu.memory_space<vmem>>, vector<16xf32>,
      %add3A_413 = arith.constant 13 : i32
      %add3A_414 = arith.addi %mul3A_89, %add3A_413 : i32
      %get3A_415 = arith.index_cast %add3A_414 : i32 to index
      %get3A_416 = arith.constant 0 : index
      %get3A_417 = tpu.vector_load %arg9[%get3A_415, %get3A_416] {strides = array<i32>} : memref<512x32xf32, #tpu.memory_space<vmem>>, vector<16xf32>,
      %add3A_418 = arith.constant 13 : i32
      %add3A_419 = arith.addi %mul3A_89, %add3A_418 : i32
      %get3A_420 = arith.index_cast %add3A_419 : i32 to index
      %get3A_421 = arith.constant 0 : index
      %get3A_422 = tpu.vector_load %arg10[%get3A_420, %get3A_421] {strides = array<i32>} : memref<512x32xf32, #tpu.memory_space<vmem>>, vector<16xf32>,
      %add3A_423 = arith.constant 13 : i32
      %add3A_424 = arith.addi %mul3A_89, %add3A_423 : i32
      %get3A_425 = arith.index_cast %add3A_424 : i32 to index
      %get3A_426 = arith.constant 16 : index
      %get3A_427 = tpu.vector_load %arg9[%get3A_425, %get3A_426] {strides = array<i32>} : memref<512x32xf32, #tpu.memory_space<vmem>>, vector<16xf32>,
      %add3A_428 = arith.constant 13 : i32
      %add3A_429 = arith.addi %mul3A_89, %add3A_428 : i32
      %get3A_430 = arith.index_cast %add3A_429 : i32 to index
      %get3A_431 = arith.constant 16 : index
      %get3A_432 = tpu.vector_load %arg10[%get3A_430, %get3A_431] {strides = array<i32>} : memref<512x32xf32, #tpu.memory_space<vmem>>, vector<16xf32>,
      %mul3A_433 = arith.mulf %get3A_417, %get3A_422 : vector<16xf32>
      %mul3A_434 = arith.mulf %get3A_427, %get3A_432 : vector<16xf32>
      %add3A_435 = arith.addf %mul3A_433, %mul3A_434 : vector<16xf32>
      %swap3A_436 = arith.constant 208 : index
      %swap3A_437 = tpu.vector_load %arg12[%swap3A_436] {strides = array<i32>} : memref<256xf32, #tpu.memory_space<vmem>>, vector<16xf32>,
      tpu.vector_store %arg12[%swap3A_436], %add3A_435 {strides = array<i32>} : memref<256xf32, #tpu.memory_space<vmem>>, vector<16xf32>,
      %add3A_438 = arith.constant 14 : i32
      %add3A_439 = arith.addi %mul3A_89, %add3A_438 : i32
      %get3A_440 = arith.index_cast %add3A_439 : i32 to index
      %get3A_441 = arith.constant 0 : index
      %get3A_442 = tpu.vector_load %arg9[%get3A_440, %get3A_441] {strides = array<i32>} : memref<512x32xf32, #tpu.memory_space<vmem>>, vector<16xf32>,
      %add3A_443 = arith.constant 14 : i32
      %add3A_444 = arith.addi %mul3A_89, %add3A_443 : i32
      %get3A_445 = arith.index_cast %add3A_444 : i32 to index
      %get3A_446 = arith.constant 0 : index
      %get3A_447 = tpu.vector_load %arg10[%get3A_445, %get3A_446] {strides = array<i32>} : memref<512x32xf32, #tpu.memory_space<vmem>>, vector<16xf32>,
      %add3A_448 = arith.constant 14 : i32
      %add3A_449 = arith.addi %mul3A_89, %add3A_448 : i32
      %get3A_450 = arith.index_cast %add3A_449 : i32 to index
      %get3A_451 = arith.constant 16 : index
      %get3A_452 = tpu.vector_load %arg9[%get3A_450, %get3A_451] {strides = array<i32>} : memref<512x32xf32, #tpu.memory_space<vmem>>, vector<16xf32>,
      %add3A_453 = arith.constant 14 : i32
      %add3A_454 = arith.addi %mul3A_89, %add3A_453 : i32
      %get3A_455 = arith.index_cast %add3A_454 : i32 to index
      %get3A_456 = arith.constant 16 : index
      %get3A_457 = tpu.vector_load %arg10[%get3A_455, %get3A_456] {strides = array<i32>} : memref<512x32xf32, #tpu.memory_space<vmem>>, vector<16xf32>,
      %mul3A_458 = arith.mulf %get3A_442, %get3A_447 : vector<16xf32>
      %mul3A_459 = arith.mulf %get3A_452, %get3A_457 : vector<16xf32>
      %add3A_460 = arith.addf %mul3A_458, %mul3A_459 : vector<16xf32>
      %swap3A_461 = arith.constant 224 : index
      %swap3A_462 = tpu.vector_load %arg12[%swap3A_461] {strides = array<i32>} : memref<256xf32, #tpu.memory_space<vmem>>, vector<16xf32>,
      tpu.vector_store %arg12[%swap3A_461], %add3A_460 {strides = array<i32>} : memref<256xf32, #tpu.memory_space<vmem>>, vector<16xf32>,
      %add3A_463 = arith.constant 15 : i32
      %add3A_464 = arith.addi %mul3A_89, %add3A_463 : i32
      %get3A_465 = arith.index_cast %add3A_464 : i32 to index
      %get3A_466 = arith.constant 0 : index
      %get3A_467 = tpu.vector_load %arg9[%get3A_465, %get3A_466] {strides = array<i32>} : memref<512x32xf32, #tpu.memory_space<vmem>>, vector<16xf32>,
      %add3A_468 = arith.constant 15 : i32
      %add3A_469 = arith.addi %mul3A_89, %add3A_468 : i32
      %get3A_470 = arith.index_cast %add3A_469 : i32 to index
      %get3A_471 = arith.constant 0 : index
      %get3A_472 = tpu.vector_load %arg10[%get3A_470, %get3A_471] {strides = array<i32>} : memref<512x32xf32, #tpu.memory_space<vmem>>, vector<16xf32>,
      %add3A_473 = arith.constant 15 : i32
      %add3A_474 = arith.addi %mul3A_89, %add3A_473 : i32
      %get3A_475 = arith.index_cast %add3A_474 : i32 to index
      %get3A_476 = arith.constant 16 : index
      %get3A_477 = tpu.vector_load %arg9[%get3A_475, %get3A_476] {strides = array<i32>} : memref<512x32xf32, #tpu.memory_space<vmem>>, vector<16xf32>,
      %add3A_478 = arith.constant 15 : i32
      %add3A_479 = arith.addi %mul3A_89, %add3A_478 : i32
      %get3A_480 = arith.index_cast %add3A_479 : i32 to index
      %get3A_481 = arith.constant 16 : index
      %get3A_482 = tpu.vector_load %arg10[%get3A_480, %get3A_481] {strides = array<i32>} : memref<512x32xf32, #tpu.memory_space<vmem>>, vector<16xf32>,
      %mul3A_483 = arith.mulf %get3A_467, %get3A_472 : vector<16xf32>
      %mul3A_484 = arith.mulf %get3A_477, %get3A_482 : vector<16xf32>
      %add3A_485 = arith.addf %mul3A_483, %mul3A_484 : vector<16xf32>
      %swap3A_486 = arith.constant 240 : index
      %swap3A_487 = tpu.vector_load %arg12[%swap3A_486] {strides = array<i32>} : memref<256xf32, #tpu.memory_space<vmem>>, vector<16xf32>,
      tpu.vector_store %arg12[%swap3A_486], %add3A_485 {strides = array<i32>} : memref<256xf32, #tpu.memory_space<vmem>>, vector<16xf32>,
      %gather3A = tpu.vector_load_idx %arg12[%mul3A_79] : memref<256xf32, #tpu.memory_space<vmem>>[vector<16xi32>], vector<16xf32>,
      %add3A_488 = arith.constant 1 : i32
      %add3A_489 = vector.broadcast %add3A_488 : i32 to vector<16xi32>
      %add3A_490 = arith.addi %mul3A_79, %add3A_489 : vector<16xi32>
      %gather3A_491 = tpu.vector_load_idx %arg12[%add3A_490] : memref<256xf32, #tpu.memory_space<vmem>>[vector<16xi32>], vector<16xf32>,
      %add3A_492 = arith.addf %gather3A, %gather3A_491 : vector<16xf32>
      %add3A_493 = arith.constant 2 : i32
      %add3A_494 = vector.broadcast %add3A_493 : i32 to vector<16xi32>
      %add3A_495 = arith.addi %mul3A_79, %add3A_494 : vector<16xi32>
      %gather3A_496 = tpu.vector_load_idx %arg12[%add3A_495] : memref<256xf32, #tpu.memory_space<vmem>>[vector<16xi32>], vector<16xf32>,
      %add3A_497 = arith.addf %add3A_492, %gather3A_496 : vector<16xf32>
      %add3A_498 = arith.constant 3 : i32
      %add3A_499 = vector.broadcast %add3A_498 : i32 to vector<16xi32>
      %add3A_500 = arith.addi %mul3A_79, %add3A_499 : vector<16xi32>
      %gather3A_501 = tpu.vector_load_idx %arg12[%add3A_500] : memref<256xf32, #tpu.memory_space<vmem>>[vector<16xi32>], vector<16xf32>,
      %add3A_502 = arith.addf %add3A_497, %gather3A_501 : vector<16xf32>
      %add3A_503 = arith.constant 4 : i32
      %add3A_504 = vector.broadcast %add3A_503 : i32 to vector<16xi32>
      %add3A_505 = arith.addi %mul3A_79, %add3A_504 : vector<16xi32>
      %gather3A_506 = tpu.vector_load_idx %arg12[%add3A_505] : memref<256xf32, #tpu.memory_space<vmem>>[vector<16xi32>], vector<16xf32>,
      %add3A_507 = arith.addf %add3A_502, %gather3A_506 : vector<16xf32>
      %add3A_508 = arith.constant 5 : i32
      %add3A_509 = vector.broadcast %add3A_508 : i32 to vector<16xi32>
      %add3A_510 = arith.addi %mul3A_79, %add3A_509 : vector<16xi32>
      %gather3A_511 = tpu.vector_load_idx %arg12[%add3A_510] : memref<256xf32, #tpu.memory_space<vmem>>[vector<16xi32>], vector<16xf32>,
      %add3A_512 = arith.addf %add3A_507, %gather3A_511 : vector<16xf32>
      %add3A_513 = arith.constant 6 : i32
      %add3A_514 = vector.broadcast %add3A_513 : i32 to vector<16xi32>
      %add3A_515 = arith.addi %mul3A_79, %add3A_514 : vector<16xi32>
      %gather3A_516 = tpu.vector_load_idx %arg12[%add3A_515] : memref<256xf32, #tpu.memory_space<vmem>>[vector<16xi32>], vector<16xf32>,
      %add3A_517 = arith.addf %add3A_512, %gather3A_516 : vector<16xf32>
      %add3A_518 = arith.constant 7 : i32
      %add3A_519 = vector.broadcast %add3A_518 : i32 to vector<16xi32>
      %add3A_520 = arith.addi %mul3A_79, %add3A_519 : vector<16xi32>
      %gather3A_521 = tpu.vector_load_idx %arg12[%add3A_520] : memref<256xf32, #tpu.memory_space<vmem>>[vector<16xi32>], vector<16xf32>,
      %add3A_522 = arith.addf %add3A_517, %gather3A_521 : vector<16xf32>
      %add3A_523 = arith.constant 8 : i32
      %add3A_524 = vector.broadcast %add3A_523 : i32 to vector<16xi32>
      %add3A_525 = arith.addi %mul3A_79, %add3A_524 : vector<16xi32>
      %gather3A_526 = tpu.vector_load_idx %arg12[%add3A_525] : memref<256xf32, #tpu.memory_space<vmem>>[vector<16xi32>], vector<16xf32>,
      %add3A_527 = arith.addf %add3A_522, %gather3A_526 : vector<16xf32>
      %add3A_528 = arith.constant 9 : i32
      %add3A_529 = vector.broadcast %add3A_528 : i32 to vector<16xi32>
      %add3A_530 = arith.addi %mul3A_79, %add3A_529 : vector<16xi32>
      %gather3A_531 = tpu.vector_load_idx %arg12[%add3A_530] : memref<256xf32, #tpu.memory_space<vmem>>[vector<16xi32>], vector<16xf32>,
      %add3A_532 = arith.addf %add3A_527, %gather3A_531 : vector<16xf32>
      %add3A_533 = arith.constant 10 : i32
      %add3A_534 = vector.broadcast %add3A_533 : i32 to vector<16xi32>
      %add3A_535 = arith.addi %mul3A_79, %add3A_534 : vector<16xi32>
      %gather3A_536 = tpu.vector_load_idx %arg12[%add3A_535] : memref<256xf32, #tpu.memory_space<vmem>>[vector<16xi32>], vector<16xf32>,
      %add3A_537 = arith.addf %add3A_532, %gather3A_536 : vector<16xf32>
      %add3A_538 = arith.constant 11 : i32
      %add3A_539 = vector.broadcast %add3A_538 : i32 to vector<16xi32>
      %add3A_540 = arith.addi %mul3A_79, %add3A_539 : vector<16xi32>
      %gather3A_541 = tpu.vector_load_idx %arg12[%add3A_540] : memref<256xf32, #tpu.memory_space<vmem>>[vector<16xi32>], vector<16xf32>,
      %add3A_542 = arith.addf %add3A_537, %gather3A_541 : vector<16xf32>
      %add3A_543 = arith.constant 12 : i32
      %add3A_544 = vector.broadcast %add3A_543 : i32 to vector<16xi32>
      %add3A_545 = arith.addi %mul3A_79, %add3A_544 : vector<16xi32>
      %gather3A_546 = tpu.vector_load_idx %arg12[%add3A_545] : memref<256xf32, #tpu.memory_space<vmem>>[vector<16xi32>], vector<16xf32>,
      %add3A_547 = arith.addf %add3A_542, %gather3A_546 : vector<16xf32>
      %add3A_548 = arith.constant 13 : i32
      %add3A_549 = vector.broadcast %add3A_548 : i32 to vector<16xi32>
      %add3A_550 = arith.addi %mul3A_79, %add3A_549 : vector<16xi32>
      %gather3A_551 = tpu.vector_load_idx %arg12[%add3A_550] : memref<256xf32, #tpu.memory_space<vmem>>[vector<16xi32>], vector<16xf32>,
      %add3A_552 = arith.addf %add3A_547, %gather3A_551 : vector<16xf32>
      %add3A_553 = arith.constant 14 : i32
      %add3A_554 = vector.broadcast %add3A_553 : i32 to vector<16xi32>
      %add3A_555 = arith.addi %mul3A_79, %add3A_554 : vector<16xi32>
      %gather3A_556 = tpu.vector_load_idx %arg12[%add3A_555] : memref<256xf32, #tpu.memory_space<vmem>>[vector<16xi32>], vector<16xf32>,
      %add3A_557 = arith.addf %add3A_552, %gather3A_556 : vector<16xf32>
      %add3A_558 = arith.constant 15 : i32
      %add3A_559 = vector.broadcast %add3A_558 : i32 to vector<16xi32>
      %add3A_560 = arith.addi %mul3A_79, %add3A_559 : vector<16xi32>
      %gather3A_561 = tpu.vector_load_idx %arg12[%add3A_560] : memref<256xf32, #tpu.memory_space<vmem>>[vector<16xi32>], vector<16xf32>,
      %add3A_562 = arith.addf %add3A_557, %gather3A_561 : vector<16xf32>
      %swap3A_563 = arith.index_cast %mul3A_89 : i32 to index
      %swap3A_564 = tpu.vector_load %arg11[%swap3A_563] {strides = array<i32>} : memref<512xf32, #tpu.memory_space<vmem>>, vector<16xf32>,
      tpu.vector_store %arg11[%swap3A_563], %add3A_562 {strides = array<i32>} : memref<512xf32, #tpu.memory_space<vmem>>, vector<16xf32>,
      %scan3A_565 = arith.constant 0 : i32
      scf.yield %scan3A_565 : i32
    }
    %scan3A_85 = arith.constant 32 : i32
    "tpu.region"() ({
      %run_scoped3A = tpu.sem_alloc : memref<!tpu.dma_semaphore, #tpu.memory_space<semaphore_mem>>
      %dma_start3A_86 = tpu.memref_slice %arg6[%mul3A_2] : memref<16384xf32, #tpu.memory_space<hbm>> -> memref<512xf32, #tpu.memory_space<hbm>>
      %dma_start3A_87 = tpu.memref_slice %arg6[%mul3A_2] : memref<16384xf32, #tpu.memory_space<hbm>> -> memref<512xf32, #tpu.memory_space<hbm>>
      tpu.enqueue_dma source(%arg11 : memref<512xf32, #tpu.memory_space<vmem>>) target(%dma_start3A_87 : memref<512xf32, #tpu.memory_space<hbm>>) target_semaphore(%run_scoped3A : memref<!tpu.dma_semaphore, #tpu.memory_space<semaphore_mem>>)
      %dma_wait3A_88 = tpu.memref_slice %arg6[%mul3A_2] : memref<16384xf32, #tpu.memory_space<hbm>> -> memref<512xf32, #tpu.memory_space<hbm>>
      %dma_wait3A_89 = tpu.memref_slice %arg6[%mul3A_2] : memref<16384xf32, #tpu.memory_space<hbm>> -> memref<512xf32, #tpu.memory_space<hbm>>
      tpu.wait_dma2 semaphore(%run_scoped3A : memref<!tpu.dma_semaphore, #tpu.memory_space<semaphore_mem>>) src(%arg11 : memref<512xf32, #tpu.memory_space<vmem>>) dst(%dma_wait3A_89 : memref<512xf32, #tpu.memory_space<hbm>>)
      tpu.yield
    }) : () -> ()
    return
  }
}

</mosaic_0001>

<sc_bundles>
// kernel: kernel.3.cloned.1.call-start
scs
__scs_entry_jumppad:
0x0: {  	(pc) =	sbr.rel $0x88, $3  }
0x1: {  	(tag) =	ssettag $0x0;
	lr =	simm.s32 $0x1  }
0x2: {  	[smem:$0x3F9D] =	sst lr;
	_ =	strace $0xD0000000  }
0x3: {  	_ = 	snop  }
0x4: {  	_ = 	snop  }
0x5: {  	_ = 	snop  }
0x6: {  	_ = 	snop  }
0x7: {  	_ = 	snop  }
__scs_overlays_trampoline_lowered:
0x8: {  	[smem:$0x3FAC] =	sst s0  }
0x9: {  	[smem:$0x3FAD] =	sst s1  }
0xa: {  	[smem:$0x3FAE] =	sst s2  }
0xb: {  	[smem:$0x3FAF] =	sst s3  }
0xc: {  	[smem:$0x3FB0] =	sst s4  }
0xd: {  	[smem:$0x3FB1] =	sst s5  }
0xe: {  	[smem:$0x3FB2] =	sst s6  }
0xf: {  	[smem:$0x3FB3] =	sst s7  }
0x10: {  	[smem:$0x3FB4] =	sst s8  }
0x11: {  	[smem:$0x3FB5] =	sst s9;
	s0 =	simm.s32 @!p0 $0x0  }
0x12: {  	s1 =	sld [smem:$0x3F9B];
	s0 =	simm.s32 @p0 $0x1  }
0x13: {  	[smem:$0x3FB6] =	sst s0;
	s0 =	simm.s32 @!p1 $0x0  }
0x14: {  	s2 =	sld [smem:$0x3F9A];
	s0 =	simm.s32 @p1 $0x1  }
0x15: {  	[smem:$0x3FB7] =	sst s0;
	s0 =	simm.s32 @!p2 $0x0  }
0x16: {  	s3 =	sld [smem:$0x3FDB];
	s0 =	simm.s32 @p2 $0x1  }
0x17: {  	s4 =	simm.s32 $0x1BF5;
	[smem:$0x3FB9] =	sst s0  }
0x18: {  	s0 =	sld [smem:$0x3F9C];
	_ =	swait.ge [sflag:s4], $0x0  }
0x19: {  	s7 =	sld [smem:$0x3F9D]  }
0x1a: {  	s8 =	sadd.s32 $0xFFFFE003, lr  }
0x1b: {  	s9 =	sadd.s32 $0xFFFFFEF7, lr;
	s5 =	simm.s32 $0xFFFFFFFF;
	p2 =	slt.u32 s8, $0xFFFFF086  }
0x1c: {  	p1 =	slt.u32 s9, $0xF7A;
	s5 =	simm.s32 @!p2 $0x0  }
0x1d: {  	s5 =	simm.s32 @p1 $0x1;
	p0 =	seq.s32 s7, s2  }
0x1e: {  	s7 =	smul.u32 @!p0 $0xF7A, s2;
	p2 =	seq.s32 @!p0 s5, $0x0  }
0x1f: {  	s9 =	smul.u32 $0xF7A, s1;
	s8 =	simm.s32 @!p0 $0x1BF5;
	p2 =	por !p2, p0  }
0x20: {  	[sflag:s8] =	ssyncset.s32 @!p0 $0xFFFFF086;
	s6 =	sadd.s32 @!p0 s3, s7;
	s7 =	simm.s32 @!p0 $0x108  }
0x21: {  	s3 =	sadd.s32 s3, s9;
	s6 =	sadd.s32 @!p0 $0x88, s6;
	s7 =	simm.s32 @p2 $0x1082  }
0x22: {  	[simem:s7], [sflag:s8] =	dma.local @!p0 [hbm:s6], $0xF7A  }
0x23: {  	s9 =	sor.u32 $0xD0000000, s2;
	s6 =	simm.s32 $0x108;
	_ =	swait.ge @!p0 [sflag:s8], $0x0  }
0x24: {  	s3 =	sadd.s32 $0x88, s3;
	s6 =	simm.s32 @!p1 $0x1082;
	[sflag:s4] =	ssyncset.s32 $0xFFFFF086  }
0x25: {  	[simem:s6], [sflag:s4] =	dma.local [hbm:s3], $0xF7A  }
0x26: {  	[smem:$0x3F9D] =	sst s1;
	(tag) =	ssettag s2;
	_ =	strace s9  }
0x27: {  	s1 =	sld [smem:$0x3FAD]  }
0x28: {  	s2 =	sld [smem:$0x3FAE]  }
0x29: {  	s4 =	sld [smem:$0x3FB0]  }
0x2a: {  	p0 =	seq.s32 s5, $0x0;
	s5 =	sld [smem:$0x3FB1]  }
0x2b: {  	s6 =	sld [smem:$0x3FB2]  }
0x2c: {  	s7 =	sld [smem:$0x3FB3]  }
0x2d: {  	s3 =	simm.s32 $0x108;
	s8 =	sld [smem:$0x3FB4]  }
0x2e: {  	s3 =	simm.s32 @!p0 $0x1082;
	s9 =	sld [smem:$0x3FB5]  }
0x2f: {  	lr =	sadd.s32 s0, s3;
	s0 =	sld [smem:$0x3FAC]  }
0x30: {  	s3 =	sld [smem:$0x3FAF]  }
0x31: {  	[smem:$0x3FB8] =	sst s10  }
0x32: {  	s10 =	sld [smem:$0x3FB6];
	_ =	sdelay $0x3  }
0x33: {  	p0 =	seq.s32 s10, $0x1;
	s10 =	sld [smem:$0x3FB8];
	_ =	sdelay $0x3  }
0x34: {  	[smem:$0x3FB8] =	sst s10  }
0x35: {  	s10 =	sld [smem:$0x3FB7];
	_ =	sdelay $0x3  }
0x36: {  	p1 =	seq.s32 s10, $0x1;
	s10 =	sld [smem:$0x3FB8];
	_ =	sdelay $0x3  }
0x37: {  	[smem:$0x3FB8] =	sst s10  }
0x38: {  	s10 =	sld [smem:$0x3FB9]  }
0x39: {  	_ = 	snop;
	(pc) =	sbr.ind lr, $3  }
0x3a: {  	_ = 	snop  }
0x3b: {  	_ = 	snop  }
0x3c: {  	p2 =	seq.s32 s10, $0x1;
	s10 =	sld [smem:$0x3FB8]  }
0x3d: {  	_ =	shalt  }
0x3e: {  	_ =	shalt  }
0x3f: {  	_ =	shalt  }
0x40: {  	_ =	shalt  }
0x41: {  	_ =	shalt  }
0x42: {  	_ =	shalt  }
0x43: {  	_ =	shalt  }
0x44: {  	_ =	shalt  }
0x45: {  	_ =	shalt  }
0x46: {  	_ =	shalt  }
0x47: {  	_ =	shalt  }
0x48: {  	_ =	shalt  }
0x49: {  	_ =	shalt  }
0x4a: {  	_ =	shalt  }
0x4b: {  	_ =	shalt  }
0x4c: {  	_ =	shalt  }
0x4d: {  	_ =	shalt  }
0x4e: {  	_ =	shalt  }
0x4f: {  	_ =	shalt  }
0x50: {  	_ =	shalt  }
0x51: {  	_ =	shalt  }
0x52: {  	_ =	shalt  }
0x53: {  	_ =	shalt  }
0x54: {  	_ =	shalt  }
0x55: {  	_ =	shalt  }
0x56: {  	_ =	shalt  }
0x57: {  	_ =	shalt  }
0x58: {  	_ =	shalt  }
0x59: {  	_ =	shalt  }
0x5a: {  	_ =	shalt  }
0x5b: {  	_ =	shalt  }
0x5c: {  	_ =	shalt  }
0x5d: {  	_ =	shalt  }
0x5e: {  	_ =	shalt  }
0x5f: {  	_ =	shalt  }
0x60: {  	_ =	shalt  }
0x61: {  	_ =	shalt  }
0x62: {  	_ =	shalt  }
0x63: {  	_ =	shalt  }
0x64: {  	_ =	shalt  }
0x65: {  	_ =	shalt  }
0x66: {  	_ =	shalt  }
0x67: {  	_ =	shalt  }
0x68: {  	_ =	shalt  }
0x69: {  	_ =	shalt  }
0x6a: {  	_ =	shalt  }
0x6b: {  	_ =	shalt  }
0x6c: {  	_ =	shalt  }
0x6d: {  	_ =	shalt  }
0x6e: {  	_ =	shalt  }
0x6f: {  	_ =	shalt  }
0x70: {  	_ =	shalt  }
0x71: {  	_ =	shalt  }
0x72: {  	_ =	shalt  }
0x73: {  	_ =	shalt  }
0x74: {  	_ =	shalt  }
0x75: {  	_ =	shalt  }
0x76: {  	_ =	shalt  }
0x77: {  	_ =	shalt  }
0x78: {  	_ =	shalt  }
0x79: {  	_ =	shalt  }
0x7a: {  	_ =	shalt  }
0x7b: {  	_ =	shalt  }
0x7c: {  	_ =	shalt  }
0x7d: {  	_ =	shalt  }
0x7e: {  	_ =	shalt  }
0x7f: {  	_ =	shalt  }
0x80: {  	_ =	shalt  }
0x81: {  	_ =	shalt  }
0x82: {  	_ =	shalt  }
0x83: {  	_ =	shalt  }
0x84: {  	_ =	shalt  }
0x85: {  	_ =	shalt  }
0x86: {  	_ =	shalt  }
0x87: {  	_ =	shalt  }
.Lfunc_end0:
.L_simem_size_0:
called_computation_lowered:
.L_overlay_start_0:
0x88: {  	s2 =	sld [smem:$0x3FD9]  }
0x89: {  	s3 =	sld [smem:$0x3FFE];
	_ =	sdelay $0x1  }
0x8a: {  	s1 =	srdreg.scid  }
0x8b: {  	s0 =	sand.u32 $0x1, s1  }
0x8c: {  	s17 =	sshll.u32 s0, $0xA;
	s2 =	sadd.s32 s3, s2  }
0x8d: {  	s2 =	sadd.s32 s2, s17  }
0x8e: {  	[smem:$0x3FC4] =	sst s2  }
0x8f: {  	_ = 	snop  }
0x90: {  	s2 =	sld [smem:$0x3FC9]  }
0x91: {  	s18 =	sld [smem:$0x3FC8]  }
0x92: {  	s4 =	sld [smem:$0x3FD0];
	(tm) =	ssettm $0x1  }
0x93: {  	s5 =	sld [smem:$0x3FFB];
	_ =	sdelay $0x3  }
0x94: {  	_ =	strace s5  }
0x95: {  	s5 =	sld [smem:$0x3FFC];
	_ =	sdelay $0x3  }
0x96: {  	_ =	strace s5  }
0x97: {  	s5 =	sld [smem:$0x3FFD];
	_ =	sdelay $0x3  }
0x98: {  	_ =	strace s5  }
0x99: {  	_ =	strace $0x8FFFFFFF  }
0x9a: {  	s19 =	sld [smem:$0x3FDB];
	_ =	sdelay $0x1  }
0x9b: {  	s6 =	simm.s32 $_scs_section_size  }
0x9c: {  	s7 =	simm.s32 $_size__tile_overlayer_lowered;
	s8 =	simm.s32 $_tile_overlayer_lowered  }
0x9d: {  	s22 =	simm.s32 $0x1BFF;
	s21 =	sshll.u32 s8, $0x1;
	s5 =	sadd.s32 s6, s19  }
0x9e: {  	s9 =	simm.s32 $0x0;
	s20 =	sshll.u32 s7, $0x1;
	s7 =	sadd.s32 s21, s5  }
0x9f: {  	[timem:s9], [sflag:s22] =	dma.local [hbm:s7], s20  }
0xa0: {  	_ =	swait.ge [sflag:s22], s20  }
0xa1: {  	s6 =	ssub.s32 $0x0, s20;
	[sflag:s22] =	ssyncset.done $0x0  }
0xa2: {  	[sflag:s22] =	ssyncadd.s32 s6;
	_ =	sdelay $0x1  }
0xa3: {  	s23 =	simm.s32 $0x1B8B  }
0xa4: {  	_ =	swait.ge [sflag:s23], $0x1  }
0xa5: {  	[sflag:s23] =	ssyncset.done $0x0  }
0xa6: {  	s25 =	simm.s32 $0x1B8E;
	s24 =	sld [smem:$0x3FFE];
	[sflag:s23] =	ssyncadd.s32 $0xFFFFFFFF  }
0xa7: {  	s26 =	simm.s32 $execute0_lowered;
	[smem:$0x3FD2] =	sst s25  }
0xa8: {  	s7 =	sshll.u32 s26, $0x1;
	_ =	strace $0x80000046;
	[dreg:$0x1] =	wrdreg $0xFFFFFFFF  }
0xa9: {  	s28 =	simm.s32 $_size_execute0_lowered;
	s5 =	sadd.s32 s5, s7;
	[dreg:$0x0] =	wrdreg $0x0  }
0xaa: {  	s7 =	sshll.u32 s28, $0x1;
	[dreg:$0x2] =	wrdreg s5  }
0xab: {  	[dreg:$0x3] =	wrdreg s7  }
0xac: {  	[dreg:$0x4] =	wrdreg $0xC0  }
0xad: {  	_ =	task [dreg:s9], $0x5FFFF  }
0xae: {  	[dreg:$0x1] =	wrdreg $0xFFFFFFFF  }
0xaf: {  	[dreg:$0x0] =	wrdreg $0x60  }
0xb0: {  	[dreg:$0x2] =	wrdreg s2  }
0xb1: {  	[dreg:$0x3] =	wrdreg s18  }
0xb2: {  	[dreg:$0x4] =	wrdreg s24  }
0xb3: {  	[dreg:$0x5] =	wrdreg s4  }
0xb4: {  	[dreg:$0x6] =	wrdreg $0x9  }
0xb5: {  	_ =	task.clear_ibuf [dreg:s9], $0x7FFFF;
	_ =	strace $0x90000046  }
0xb6: {  	s29 =	simm.s32 $0x9;
	_ =	strace $0x80000048  }
0xb7: {  	_ =	swait.ge [sflag:s29], $0x1  }
0xb8: {  	[sflag:s29] =	ssyncadd.s32 $0xFFFFFFFF  }
0xb9: {  	_ =	strace $0x90000048  }
0xba: {  	_ =	sfence  }
0xbb: {  	s30 =	sld [smem:$0x0];
	_ =	sdelay $0x2  }
0xbc: {  	s31 =	sshll.u32 s1, $0xD;
	s1 =	sshrl.u32 s1, $0x2  }
0xbd: {  	s3 =	sand.u32 $0x4000, s31;
	s1 =	sadd.s32 s1, s30  }
0xbe: {  	s0 =	sor.u32 s3, s0;
	s1 =	sshll.u32 s1, $0x11  }
0xbf: {  	s0 =	sor.u32 s1, s0  }
0xc0: {  	s0 =	sadd.s32 $0x8F2B, s0  }
0xc1: {  	[sflag:s0] =	ssyncadd.remote.s32 $0x1  }
0xc2: {  	_ =	sfence.sel $0xFFFF  }
0xc3: {  	[dreg:$0x0] =	wrdreg $0xFFFFFFFF;
	(pc) =	sbr.abs _section_cstart, $3  }
0xc4: {  	[dreg:$0x1] =	wrdreg $0xFFFFFFFF  }
0xc5: {  	_ =	task.clear_ibuf [dreg:s9], $0x2FFFF;
	_ =	strace $0x9FFFFFFF  }
0xc6: {  	(tm) =	ssettm $0x7FFFFFFF  }
0xc7: {  	_ =	shalt  }
tec
execute0_lowered:
.L_overlay_start_1:
0x0: {  	(tag) =	ssettag $0x1  }
0x1: {  	s0 =	rddreg [dreg:$0x0]  }
0x2: {  	s1 =	rddreg [dreg:$0x1]  }
0x3: {  	s4 =	rddreg [dreg:$0x2]  }
0x4: {  	s7 =	rddreg [dreg:$0x3];
	s2 =	simm.s32 $0x0  }
0x5: {  	s3 =	srdreg.scid;
	s6 =	stileid.u32;
	s10 =	simm.s32 $0x200  }
0x6: {  	s11 =	simm.s32 $0x80;
	s14 =	simm.s32 $0x1400;
	s15 =	simm.s32 $0x280  }
0x7: {  	s16 =	simm.s32 $0x5400;
	s17 =	simm.s32 $0x100;
	s18 =	simm.s32 $0x2400  }
0x8: {  	s19 =	simm.s32 $0x300;
	s20 =	simm.s32 $0x6400;
	s21 =	simm.s32 $0x180  }
0x9: {  	v0 =	vlaneseq.u32;
	s22 =	simm.s32 $0x3400;
	s23 =	simm.s32 $0x380;
	s24 =	simm.s32 $0x7400  }
0xa: {  	s25 =	simm.s32 $0x1;
	s26 =	simm.s32 $0x2;
	s28 =	simm.s32 $0x8600;
	v0 =	vmul.u32 $0x10, v0  }
0xb: {  	s29 =	simm.s32 $0x8400;
	s30 =	simm.s32 $0x0;
	[smem:$0x7FF] =	sst s2  }
0xc: {  	s3 =	sand.u32 $0x1, s3;
	s6 =	sshll.u32 s6, $0x7;
	_ =	strace $0x80000047;
	v1 =	vor.u32 $0x1, v0;
	v2 =	vor.u32 $0x2, v0;
	v3 =	vor.u32 $0x3, v0  }
0xd: {  	s5 =	ssub.s32 $0x2, s3;
	s8 =	sshll.u32 s3, $0x6;
	s3 =	sadd.s32 $0xF42800, s4;
	v4 =	vor.u32 $0x4, v0;
	v5 =	vor.u32 $0x5, v0;
	v6 =	vor.u32 $0x6, v0  }
0xe: {  	s4 =	sadd.s32 $0x1313200, s4;
	s9 =	sshrl.u32 s5, $0x1;
	s8 =	sor.u32 s8, s6;
	v7 =	vor.u32 $0x7, v0;
	v8 =	vor.u32 $0x8, v0;
	v9 =	vor.u32 $0x9, v0  }
0xf: {  	v10 =	vor.u32 $0xA, v0;
	v11 =	vor.u32 $0xB, v0;
	v12 =	vor.u32 $0xC, v0;
	s9 =	ssub.s32 s5, s9;
	s5 =	sadd.s32 s0, s8;
	s6 =	sadd.s32 s1, s8  }
0x10: {  	v13 =	vor.u32 $0xD, v0;
	v14 =	vor.u32 $0xE, v0;
	v15 =	vor.u32 $0xF, v0;
	s7 =	sadd.s32 s7, s8;
	s8 =	smax.u32 s9, $0x1;
	s9 =	simm.s32 $0x3  }
.LBB2_1:
0x11: {  	[tilespmem:s2], [sflag:$0x3] =	stream.linear.gather [hbm4b:s5+s2], $0x200, $0x38;
	[tilespmem:$0x8700] =	vst v63  }
0x12: {  	_ =	swait.ge [sflag:s9], $0x200  }
0x13: {  	[sflag:s9] =	ssyncset.done $0x0  }
0x14: {  	[sflag:s9] =	ssyncadd.s32 $0xFFFFFE00  }
0x15: {  	[tilespmem:s10], [sflag:$0x3] =	stream.linear.gather [hbm4b:s6+s2], $0x200, $0x38;
	[tilespmem:$0x8700] =	vst v63  }
0x16: {  	_ =	swait.ge [sflag:s9], $0x200  }
0x17: {  	[sflag:s9] =	ssyncset.done $0x0  }
0x18: {  	s0 =	simm.s32 $0x400;
	[sflag:s9] =	ssyncadd.s32 $0xFFFFFE00  }
0x19: {  	[tilespmem:s0], [sflag:$0x1] =	stream.indirect.gather [hbm4b:s3+s11], $0x20, s2, s11, $0xb8;
	[tilespmem:$0x8700] =	vst v63  }
0x1a: {  	s13 =	simm.s32 $0x4400  }
0x1b: {  	[tilespmem:s13], [sflag:$0x2] =	stream.indirect.gather [hbm4b:s4+s11], $0x20, s10, s11, $0xb8;
	[tilespmem:$0x8700] =	vst v63  }
0x1c: {  	_ = 	snop  }
0x1d: {  	[tilespmem:s14], [sflag:$0x1] =	stream.indirect.gather [hbm4b:s3+s11], $0x20, s11, s11, $0xb8;
	[tilespmem:$0x8700] =	vst v63  }
0x1e: {  	_ = 	snop  }
0x1f: {  	[tilespmem:s16], [sflag:$0x2] =	stream.indirect.gather [hbm4b:s4+s11], $0x20, s15, s11, $0xb8;
	[tilespmem:$0x8700] =	vst v63  }
0x20: {  	_ = 	snop  }
0x21: {  	[tilespmem:s18], [sflag:$0x1] =	stream.indirect.gather [hbm4b:s3+s11], $0x20, s17, s11, $0xb8;
	[tilespmem:$0x8700] =	vst v63  }
0x22: {  	_ = 	snop  }
0x23: {  	[tilespmem:s20], [sflag:$0x2] =	stream.indirect.gather [hbm4b:s4+s11], $0x20, s19, s11, $0xb8;
	[tilespmem:$0x8700] =	vst v63  }
0x24: {  	_ = 	snop  }
0x25: {  	[tilespmem:s22], [sflag:$0x1] =	stream.indirect.gather [hbm4b:s3+s11], $0x20, s21, s11, $0xb8;
	[tilespmem:$0x8700] =	vst v63  }
0x26: {  	_ = 	snop  }
0x27: {  	[tilespmem:s24], [sflag:$0x2] =	stream.indirect.gather [hbm4b:s4+s11], $0x20, s23, s11, $0xb8;
	[tilespmem:$0x8700] =	vst v63  }
0x28: {  	_ =	swait.ge [sflag:s25], $0x4000  }
0x29: {  	[sflag:s25] =	ssyncset.done $0x0  }
0x2a: {  	[sflag:s25] =	ssyncadd.s32 $0xFFFFC000  }
0x2b: {  	_ =	swait.ge [sflag:s26], $0x4000  }
0x2c: {  	[sflag:s26] =	ssyncset.done $0x0  }
0x2d: {  	s31 =	simm.s32 $0x0;
	[sflag:s26] =	ssyncadd.s32 $0xFFFFC000  }
0x2e: {  	v16 =	vld [tilespmem:s31+$0x4410]  }
0x2f: {  	v17 =	vld [tilespmem:s31+$0x400]  }
0x30: {  	v18 =	vld [tilespmem:s31+$0x410]  }
0x31: {  	v19 =	vld [tilespmem:s31+$0x4400];
	_ =	sdelay $0x4  }
0x32: {  	v16 =	vmul.f32 v16, v18;
	v17 =	vmul.f32 v19, v17;
	_ =	sdelay $0x1  }
0x33: {  	v16 =	vadd.f32 v16, v17;
	_ =	sdelay $0x1  }
0x34: {  	[tilespmem:$0x8600] =	vst v16  }
0x35: {  	v16 =	vld [tilespmem:s31+$0x420]  }
0x36: {  	v17 =	vld [tilespmem:s31+$0x4420]  }
0x37: {  	v18 =	vld [tilespmem:s31+$0x4430]  }
0x38: {  	v19 =	vld [tilespmem:s31+$0x430];
	_ =	sdelay $0x4  }
0x39: {  	v16 =	vmul.f32 v17, v16;
	v17 =	vmul.f32 v18, v19;
	_ =	sdelay $0x1  }
0x3a: {  	v16 =	vadd.f32 v17, v16;
	_ =	sdelay $0x1  }
0x3b: {  	[tilespmem:$0x8610] =	vst v16  }
0x3c: {  	v16 =	vld [tilespmem:s31+$0x4450]  }
0x3d: {  	v17 =	vld [tilespmem:s31+$0x4440]  }
0x3e: {  	v18 =	vld [tilespmem:s31+$0x440]  }
0x3f: {  	v19 =	vld [tilespmem:s31+$0x450];
	_ =	sdelay $0x4  }
0x40: {  	v17 =	vmul.f32 v17, v18;
	v16 =	vmul.f32 v16, v19;
	_ =	sdelay $0x1  }
0x41: {  	v16 =	vadd.f32 v16, v17;
	_ =	sdelay $0x1  }
0x42: {  	[tilespmem:$0x8620] =	vst v16  }
0x43: {  	v16 =	vld [tilespmem:s31+$0x470]  }
0x44: {  	v17 =	vld [tilespmem:s31+$0x4460]  }
0x45: {  	v18 =	vld [tilespmem:s31+$0x460]  }
0x46: {  	v19 =	vld [tilespmem:s31+$0x4470];
	_ =	sdelay $0x4  }
0x47: {  	v17 =	vmul.f32 v17, v18;
	v16 =	vmul.f32 v19, v16;
	_ =	sdelay $0x1  }
0x48: {  	v16 =	vadd.f32 v16, v17;
	_ =	sdelay $0x1  }
0x49: {  	[tilespmem:$0x8630] =	vst v16  }
0x4a: {  	v16 =	vld [tilespmem:s31+$0x4490]  }
0x4b: {  	v17 =	vld [tilespmem:s31+$0x4480]  }
0x4c: {  	v18 =	vld [tilespmem:s31+$0x480]  }
0x4d: {  	v19 =	vld [tilespmem:s31+$0x490];
	_ =	sdelay $0x4  }
0x4e: {  	v17 =	vmul.f32 v17, v18;
	v16 =	vmul.f32 v16, v19;
	_ =	sdelay $0x1  }
0x4f: {  	v16 =	vadd.f32 v16, v17;
	_ =	sdelay $0x1  }
0x50: {  	[tilespmem:$0x8640] =	vst v16  }
0x51: {  	v16 =	vld [tilespmem:s31+$0x4B0]  }
0x52: {  	v17 =	vld [tilespmem:s31+$0x44A0]  }
0x53: {  	v18 =	vld [tilespmem:s31+$0x4A0]  }
0x54: {  	v19 =	vld [tilespmem:s31+$0x44B0];
	_ =	sdelay $0x4  }
0x55: {  	v17 =	vmul.f32 v17, v18;
	v16 =	vmul.f32 v19, v16;
	_ =	sdelay $0x1  }
0x56: {  	v16 =	vadd.f32 v16, v17;
	_ =	sdelay $0x1  }
0x57: {  	[tilespmem:$0x8650] =	vst v16  }
0x58: {  	v16 =	vld [tilespmem:s31+$0x44D0]  }
0x59: {  	v17 =	vld [tilespmem:s31+$0x4C0]  }
0x5a: {  	v18 =	vld [tilespmem:s31+$0x44C0]  }
0x5b: {  	v19 =	vld [tilespmem:s31+$0x4D0];
	_ =	sdelay $0x4  }
0x5c: {  	v17 =	vmul.f32 v18, v17;
	v16 =	vmul.f32 v16, v19;
	_ =	sdelay $0x1  }
0x5d: {  	v16 =	vadd.f32 v16, v17;
	_ =	sdelay $0x1  }
0x5e: {  	[tilespmem:$0x8660] =	vst v16  }
0x5f: {  	v16 =	vld [tilespmem:s31+$0x4F0]  }
0x60: {  	v17 =	vld [tilespmem:s31+$0x44E0]  }
0x61: {  	v18 =	vld [tilespmem:s31+$0x4E0]  }
0x62: {  	v19 =	vld [tilespmem:s31+$0x44F0];
	_ =	sdelay $0x4  }
0x63: {  	v17 =	vmul.f32 v17, v18;
	v16 =	vmul.f32 v19, v16;
	_ =	sdelay $0x1  }
0x64: {  	v16 =	vadd.f32 v16, v17;
	_ =	sdelay $0x1  }
0x65: {  	[tilespmem:$0x8670] =	vst v16  }
0x66: {  	v16 =	vld [tilespmem:s31+$0x4510]  }
0x67: {  	v17 =	vld [tilespmem:s31+$0x4500]  }
0x68: {  	v18 =	vld [tilespmem:s31+$0x500]  }
0x69: {  	v19 =	vld [tilespmem:s31+$0x510];
	_ =	sdelay $0x4  }
0x6a: {  	v17 =	vmul.f32 v17, v18;
	v16 =	vmul.f32 v16, v19;
	_ =	sdelay $0x1  }
0x6b: {  	v16 =	vadd.f32 v16, v17;
	_ =	sdelay $0x1  }
0x6c: {  	[tilespmem:$0x8680] =	vst v16  }
0x6d: {  	v16 =	vld [tilespmem:s31+$0x4520]  }
0x6e: {  	v17 =	vld [tilespmem:s31+$0x4530]  }
0x6f: {  	v18 =	vld [tilespmem:s31+$0x530]  }
0x70: {  	v19 =	vld [tilespmem:s31+$0x520];
	_ =	sdelay $0x4  }
0x71: {  	v17 =	vmul.f32 v17, v18;
	v16 =	vmul.f32 v16, v19;
	_ =	sdelay $0x1  }
0x72: {  	v16 =	vadd.f32 v17, v16;
	_ =	sdelay $0x1  }
0x73: {  	[tilespmem:$0x8690] =	vst v16  }
0x74: {  	v16 =	vld [tilespmem:s31+$0x4550]  }
0x75: {  	v17 =	vld [tilespmem:s31+$0x4540]  }
0x76: {  	v18 =	vld [tilespmem:s31+$0x540]  }
0x77: {  	v19 =	vld [tilespmem:s31+$0x550];
	_ =	sdelay $0x4  }
0x78: {  	v17 =	vmul.f32 v17, v18;
	v16 =	vmul.f32 v16, v19;
	_ =	sdelay $0x1  }
0x79: {  	v16 =	vadd.f32 v16, v17;
	_ =	sdelay $0x1  }
0x7a: {  	[tilespmem:$0x86A0] =	vst v16  }
0x7b: {  	v16 =	vld [tilespmem:s31+$0x570]  }
0x7c: {  	v17 =	vld [tilespmem:s31+$0x4560]  }
0x7d: {  	v18 =	vld [tilespmem:s31+$0x560]  }
0x7e: {  	v19 =	vld [tilespmem:s31+$0x4570];
	_ =	sdelay $0x4  }
0x7f: {  	v17 =	vmul.f32 v17, v18;
	v16 =	vmul.f32 v19, v16;
	_ =	sdelay $0x1  }
0x80: {  	v16 =	vadd.f32 v16, v17;
	_ =	sdelay $0x1  }
0x81: {  	[tilespmem:$0x86B0] =	vst v16  }
0x82: {  	v16 =	vld [tilespmem:s31+$0x580]  }
0x83: {  	v17 =	vld [tilespmem:s31+$0x4590]  }
0x84: {  	v18 =	vld [tilespmem:s31+$0x4580]  }
0x85: {  	v19 =	vld [tilespmem:s31+$0x590];
	_ =	sdelay $0x4  }
0x86: {  	v16 =	vmul.f32 v18, v16;
	v17 =	vmul.f32 v17, v19;
	_ =	sdelay $0x1  }
0x87: {  	v16 =	vadd.f32 v17, v16;
	_ =	sdelay $0x1  }
0x88: {  	[tilespmem:$0x86C0] =	vst v16  }
0x89: {  	v16 =	vld [tilespmem:s31+$0x45A0]  }
0x8a: {  	v17 =	vld [tilespmem:s31+$0x45B0]  }
0x8b: {  	v18 =	vld [tilespmem:s31+$0x5B0]  }
0x8c: {  	v19 =	vld [tilespmem:s31+$0x5A0];
	_ =	sdelay $0x4  }
0x8d: {  	v17 =	vmul.f32 v17, v18;
	v16 =	vmul.f32 v16, v19;
	_ =	sdelay $0x1  }
0x8e: {  	v16 =	vadd.f32 v17, v16;
	_ =	sdelay $0x1  }
0x8f: {  	[tilespmem:$0x86D0] =	vst v16  }
0x90: {  	v16 =	vld [tilespmem:s31+$0x45C0]  }
0x91: {  	v17 =	vld [tilespmem:s31+$0x45D0]  }
0x92: {  	v18 =	vld [tilespmem:s31+$0x5C0]  }
0x93: {  	v19 =	vld [tilespmem:s31+$0x5D0];
	_ =	sdelay $0x4  }
0x94: {  	v16 =	vmul.f32 v16, v18;
	v17 =	vmul.f32 v17, v19;
	_ =	sdelay $0x1  }
0x95: {  	v16 =	vadd.f32 v17, v16;
	_ =	sdelay $0x1  }
0x96: {  	[tilespmem:$0x86E0] =	vst v16  }
0x97: {  	s1 =	simm.s32 $0x800;
	s12 =	simm.s32 $0x8400;
	s0 =	simm.s32 $0x8400;
	v16 =	vld [tilespmem:s31+$0x45E0]  }
.LBB2_2:
0x98: {  	p0 =	sne.s32 s1, $0xF800  }
0x99: {  	v17 =	vld [tilespmem:s31+$0x5F0];
	s12 =	sadd.s32 $0x10, s12;
	s13 =	smov.u32 s1;
	s1 =	sadd.s32 $0x800, s1  }
0x9a: {  	v18 =	vld [tilespmem:s31+$0x5E0]  }
0x9b: {  	v19 =	vld [tilespmem:s31+$0x45F0];
	_ =	sdelay $0x3  }
0x9c: {  	v16 =	vmul.f32 v16, v18  }
0x9d: {  	v17 =	vmul.f32 v19, v17;
	_ =	sdelay $0x1  }
0x9e: {  	v16 =	vadd.f32 v17, v16;
	_ =	sdelay $0x1  }
0x9f: {  	[tilespmem:$0x86F0] =	vst v16  }
0xa0: {  	v16 =	vld.idx.msk [tilespmem:v0+s28+$0x0], $0xffff  }
0xa1: {  	v17 =	vld.idx.msk [tilespmem:v1+s28+$0x0], $0xffff  }
0xa2: {  	v18 =	vld.idx.msk [tilespmem:v2+s28+$0x0], $0xffff  }
0xa3: {  	v19 =	vld.idx.msk [tilespmem:v3+s28+$0x0], $0xffff  }
0xa4: {  	v20 =	vld.idx.msk [tilespmem:v4+s28+$0x0], $0xffff  }
0xa5: {  	v21 =	vld.idx.msk [tilespmem:v5+s28+$0x0], $0xffff  }
0xa6: {  	v22 =	vld.idx.msk [tilespmem:v6+s28+$0x0], $0xffff  }
0xa7: {  	v16 =	vadd.f32 v17, v16;
	v17 =	vld.idx.msk [tilespmem:v7+s28+$0x0], $0xffff  }
0xa8: {  	v23 =	vld.idx.msk [tilespmem:v8+s28+$0x0], $0xffff  }
0xa9: {  	v16 =	vadd.f32 v18, v16;
	v18 =	vld.idx.msk [tilespmem:v9+s28+$0x0], $0xffff  }
0xaa: {  	v24 =	vld.idx.msk [tilespmem:v10+s28+$0x0], $0xffff  }
0xab: {  	v16 =	vadd.f32 v19, v16;
	v19 =	vld.idx.msk [tilespmem:v11+s28+$0x0], $0xffff  }
0xac: {  	v25 =	vld.idx.msk [tilespmem:v12+s28+$0x0], $0xffff  }
0xad: {  	v16 =	vadd.f32 v20, v16;
	v20 =	vld.idx.msk [tilespmem:v13+s28+$0x0], $0xffff  }
0xae: {  	v26 =	vld.idx.msk [tilespmem:v14+s28+$0x0], $0xffff  }
0xaf: {  	v16 =	vadd.f32 v21, v16;
	v21 =	vld.idx.msk [tilespmem:v15+s28+$0x0], $0xffff;
	_ =	sdelay $0x1  }
0xb0: {  	v16 =	vadd.f32 v22, v16;
	_ =	sdelay $0x1  }
0xb1: {  	v16 =	vadd.f32 v17, v16;
	_ =	sdelay $0x1  }
0xb2: {  	v16 =	vadd.f32 v23, v16;
	_ =	sdelay $0x1  }
0xb3: {  	v16 =	vadd.f32 v18, v16;
	_ =	sdelay $0x1  }
0xb4: {  	v16 =	vadd.f32 v24, v16;
	_ =	sdelay $0x1  }
0xb5: {  	v16 =	vadd.f32 v19, v16;
	_ =	sdelay $0x1  }
0xb6: {  	v16 =	vadd.f32 v25, v16;
	_ =	sdelay $0x1  }
0xb7: {  	v16 =	vadd.f32 v20, v16;
	_ =	sdelay $0x1  }
0xb8: {  	v16 =	vadd.f32 v26, v16;
	_ =	sdelay $0x1  }
0xb9: {  	v16 =	vadd.f32 v21, v16;
	_ =	sdelay $0x1  }
0xba: {  	s31 =	sshra.s32 s13, $0x2;
	[tilespmem:s0+$0x0] =	vst v16;
	s0 =	smov.u32 s12  }
0xbb: {  	v16 =	vld [tilespmem:s31+$0x4410]  }
0xbc: {  	v17 =	vld [tilespmem:s31+$0x400]  }
0xbd: {  	v18 =	vld [tilespmem:s31+$0x410]  }
0xbe: {  	v19 =	vld [tilespmem:s31+$0x4400];
	_ =	sdelay $0x3  }
0xbf: {  	v16 =	vmul.f32 v16, v18  }
0xc0: {  	v17 =	vmul.f32 v19, v17;
	_ =	sdelay $0x1  }
0xc1: {  	v16 =	vadd.f32 v16, v17;
	_ =	sdelay $0x1  }
0xc2: {  	[tilespmem:$0x8600] =	vst v16  }
0xc3: {  	v16 =	vld [tilespmem:s31+$0x420]  }
0xc4: {  	v17 =	vld [tilespmem:s31+$0x4420]  }
0xc5: {  	v18 =	vld [tilespmem:s31+$0x4430]  }
0xc6: {  	v19 =	vld [tilespmem:s31+$0x430];
	_ =	sdelay $0x2  }
0xc7: {  	v16 =	vmul.f32 v17, v16;
	_ =	sdelay $0x1  }
0xc8: {  	v17 =	vmul.f32 v18, v19;
	_ =	sdelay $0x1  }
0xc9: {  	v16 =	vadd.f32 v17, v16;
	_ =	sdelay $0x1  }
0xca: {  	[tilespmem:$0x8610] =	vst v16  }
0xcb: {  	v16 =	vld [tilespmem:s31+$0x4450]  }
0xcc: {  	v17 =	vld [tilespmem:s31+$0x4440]  }
0xcd: {  	v18 =	vld [tilespmem:s31+$0x440]  }
0xce: {  	v19 =	vld [tilespmem:s31+$0x450];
	_ =	sdelay $0x3  }
0xcf: {  	v17 =	vmul.f32 v17, v18  }
0xd0: {  	v16 =	vmul.f32 v16, v19;
	_ =	sdelay $0x1  }
0xd1: {  	v16 =	vadd.f32 v16, v17;
	_ =	sdelay $0x1  }
0xd2: {  	[tilespmem:$0x8620] =	vst v16  }
0xd3: {  	v16 =	vld [tilespmem:s31+$0x470]  }
0xd4: {  	v17 =	vld [tilespmem:s31+$0x4460]  }
0xd5: {  	v18 =	vld [tilespmem:s31+$0x460]  }
0xd6: {  	v19 =	vld [tilespmem:s31+$0x4470];
	_ =	sdelay $0x3  }
0xd7: {  	v17 =	vmul.f32 v17, v18  }
0xd8: {  	v16 =	vmul.f32 v19, v16;
	_ =	sdelay $0x1  }
0xd9: {  	v16 =	vadd.f32 v16, v17;
	_ =	sdelay $0x1  }
0xda: {  	[tilespmem:$0x8630] =	vst v16  }
0xdb: {  	v16 =	vld [tilespmem:s31+$0x4490]  }
0xdc: {  	v17 =	vld [tilespmem:s31+$0x4480]  }
0xdd: {  	v18 =	vld [tilespmem:s31+$0x480]  }
0xde: {  	v19 =	vld [tilespmem:s31+$0x490];
	_ =	sdelay $0x3  }
0xdf: {  	v17 =	vmul.f32 v17, v18  }
0xe0: {  	v16 =	vmul.f32 v16, v19;
	_ =	sdelay $0x1  }
0xe1: {  	v16 =	vadd.f32 v16, v17;
	_ =	sdelay $0x1  }
0xe2: {  	[tilespmem:$0x8640] =	vst v16  }
0xe3: {  	v16 =	vld [tilespmem:s31+$0x4B0]  }
0xe4: {  	v17 =	vld [tilespmem:s31+$0x44A0]  }
0xe5: {  	v18 =	vld [tilespmem:s31+$0x4A0]  }
0xe6: {  	v19 =	vld [tilespmem:s31+$0x44B0];
	_ =	sdelay $0x3  }
0xe7: {  	v17 =	vmul.f32 v17, v18  }
0xe8: {  	v16 =	vmul.f32 v19, v16;
	_ =	sdelay $0x1  }
0xe9: {  	v16 =	vadd.f32 v16, v17;
	_ =	sdelay $0x1  }
0xea: {  	[tilespmem:$0x8650] =	vst v16  }
0xeb: {  	v16 =	vld [tilespmem:s31+$0x44D0]  }
0xec: {  	v17 =	vld [tilespmem:s31+$0x4C0]  }
0xed: {  	v18 =	vld [tilespmem:s31+$0x44C0]  }
0xee: {  	v19 =	vld [tilespmem:s31+$0x4D0];
	_ =	sdelay $0x3  }
0xef: {  	v17 =	vmul.f32 v18, v17  }
0xf0: {  	v16 =	vmul.f32 v16, v19;
	_ =	sdelay $0x1  }
0xf1: {  	v16 =	vadd.f32 v16, v17;
	_ =	sdelay $0x1  }
0xf2: {  	[tilespmem:$0x8660] =	vst v16  }
0xf3: {  	v16 =	vld [tilespmem:s31+$0x4F0]  }
0xf4: {  	v17 =	vld [tilespmem:s31+$0x44E0]  }
0xf5: {  	v18 =	vld [tilespmem:s31+$0x4E0]  }
0xf6: {  	v19 =	vld [tilespmem:s31+$0x44F0];
	_ =	sdelay $0x3  }
0xf7: {  	v17 =	vmul.f32 v17, v18  }
0xf8: {  	v16 =	vmul.f32 v19, v16;
	_ =	sdelay $0x1  }
0xf9: {  	v16 =	vadd.f32 v16, v17;
	_ =	sdelay $0x1  }
0xfa: {  	[tilespmem:$0x8670] =	vst v16  }
0xfb: {  	v16 =	vld [tilespmem:s31+$0x4510]  }
0xfc: {  	v17 =	vld [tilespmem:s31+$0x4500]  }
0xfd: {  	v18 =	vld [tilespmem:s31+$0x500]  }
0xfe: {  	v19 =	vld [tilespmem:s31+$0x510];
	_ =	sdelay $0x3  }
0xff: {  	v17 =	vmul.f32 v17, v18  }
0x100: {  	v16 =	vmul.f32 v16, v19;
	_ =	sdelay $0x1  }
0x101: {  	v16 =	vadd.f32 v16, v17;
	_ =	sdelay $0x1  }
0x102: {  	[tilespmem:$0x8680] =	vst v16  }
0x103: {  	v16 =	vld [tilespmem:s31+$0x4520]  }
0x104: {  	v17 =	vld [tilespmem:s31+$0x4530]  }
0x105: {  	v18 =	vld [tilespmem:s31+$0x530]  }
0x106: {  	v19 =	vld [tilespmem:s31+$0x520];
	_ =	sdelay $0x3  }
0x107: {  	v17 =	vmul.f32 v17, v18  }
0x108: {  	v16 =	vmul.f32 v16, v19;
	_ =	sdelay $0x1  }
0x109: {  	v16 =	vadd.f32 v17, v16;
	_ =	sdelay $0x1  }
0x10a: {  	[tilespmem:$0x8690] =	vst v16  }
0x10b: {  	v16 =	vld [tilespmem:s31+$0x4550]  }
0x10c: {  	v17 =	vld [tilespmem:s31+$0x4540]  }
0x10d: {  	v18 =	vld [tilespmem:s31+$0x540]  }
0x10e: {  	v19 =	vld [tilespmem:s31+$0x550];
	_ =	sdelay $0x3  }
0x10f: {  	v17 =	vmul.f32 v17, v18  }
0x110: {  	v16 =	vmul.f32 v16, v19;
	_ =	sdelay $0x1  }
0x111: {  	v16 =	vadd.f32 v16, v17;
	_ =	sdelay $0x1  }
0x112: {  	[tilespmem:$0x86A0] =	vst v16  }
0x113: {  	v16 =	vld [tilespmem:s31+$0x570]  }
0x114: {  	v17 =	vld [tilespmem:s31+$0x4560]  }
0x115: {  	v18 =	vld [tilespmem:s31+$0x560]  }
0x116: {  	v19 =	vld [tilespmem:s31+$0x4570];
	_ =	sdelay $0x3  }
0x117: {  	v17 =	vmul.f32 v17, v18  }
0x118: {  	v16 =	vmul.f32 v19, v16;
	_ =	sdelay $0x1  }
0x119: {  	v16 =	vadd.f32 v16, v17;
	_ =	sdelay $0x1  }
0x11a: {  	[tilespmem:$0x86B0] =	vst v16  }
0x11b: {  	v16 =	vld [tilespmem:s31+$0x580]  }
0x11c: {  	v17 =	vld [tilespmem:s31+$0x4590]  }
0x11d: {  	v18 =	vld [tilespmem:s31+$0x4580]  }
0x11e: {  	v19 =	vld [tilespmem:s31+$0x590];
	_ =	sdelay $0x3  }
0x11f: {  	v16 =	vmul.f32 v18, v16  }
0x120: {  	v17 =	vmul.f32 v17, v19;
	_ =	sdelay $0x1  }
0x121: {  	v16 =	vadd.f32 v17, v16;
	_ =	sdelay $0x1  }
0x122: {  	[tilespmem:$0x86C0] =	vst v16  }
0x123: {  	v16 =	vld [tilespmem:s31+$0x45A0]  }
0x124: {  	v17 =	vld [tilespmem:s31+$0x45B0]  }
0x125: {  	v18 =	vld [tilespmem:s31+$0x5B0]  }
0x126: {  	v19 =	vld [tilespmem:s31+$0x5A0];
	_ =	sdelay $0x3  }
0x127: {  	v17 =	vmul.f32 v17, v18  }
0x128: {  	v16 =	vmul.f32 v16, v19;
	_ =	sdelay $0x1  }
0x129: {  	v16 =	vadd.f32 v17, v16;
	_ =	sdelay $0x1  }
0x12a: {  	[tilespmem:$0x86D0] =	vst v16  }
0x12b: {  	v16 =	vld [tilespmem:s31+$0x45C0]  }
0x12c: {  	v17 =	vld [tilespmem:s31+$0x45D0]  }
0x12d: {  	v18 =	vld [tilespmem:s31+$0x5C0]  }
0x12e: {  	v19 =	vld [tilespmem:s31+$0x5D0];
	_ =	sdelay $0x3  }
0x12f: {  	v16 =	vmul.f32 v16, v18  }
0x130: {  	v17 =	vmul.f32 v17, v19  }
.Ltmp0:
0x131: {  	(pc) =	sbr.rel @p0 .LBB2_2-.Ltmp0, $3  }
0x132: {  	v16 =	vadd.f32 v17, v16;
	_ =	sdelay $0x1  }
0x133: {  	[tilespmem:$0x86E0] =	vst v16  }
0x134: {  	v16 =	vld [tilespmem:s31+$0x45E0]  }
0x135: {  	v17 =	vld [tilespmem:s31+$0x5F0]  }
0x136: {  	v18 =	vld [tilespmem:s31+$0x5E0]  }
0x137: {  	v19 =	vld [tilespmem:s31+$0x45F0];
	_ =	sdelay $0x4  }
0x138: {  	v16 =	vmul.f32 v16, v18;
	v17 =	vmul.f32 v19, v17;
	_ =	sdelay $0x1  }
0x139: {  	v16 =	vadd.f32 v17, v16;
	_ =	sdelay $0x1  }
0x13a: {  	[tilespmem:$0x86F0] =	vst v16  }
0x13b: {  	v16 =	vld.idx.msk [tilespmem:v0+s28+$0x0], $0xffff  }
0x13c: {  	v17 =	vld.idx.msk [tilespmem:v1+s28+$0x0], $0xffff;
	_ =	sdelay $0x1  }
0x13d: {  	v54 =	vld.idx.msk [tilespmem:v2+s28+$0x0], $0xffff;
	_ =	sdelay $0x1  }
0x13e: {  	v55 =	vld.idx.msk [tilespmem:v3+s28+$0x0], $0xffff  }
0x13f: {  	v16 =	vadd.f32 v17, v16  }
0x140: {  	v17 =	vld.idx.msk [tilespmem:v4+s28+$0x0], $0xffff  }
0x141: {  	v16 =	vadd.f32 v54, v16  }
0x142: {  	v56 =	vld.idx.msk [tilespmem:v5+s28+$0x0], $0xffff  }
0x143: {  	v16 =	vadd.f32 v55, v16  }
0x144: {  	v57 =	vld.idx.msk [tilespmem:v6+s28+$0x0], $0xffff  }
0x145: {  	v16 =	vadd.f32 v17, v16  }
0x146: {  	v17 =	vld.idx.msk [tilespmem:v7+s28+$0x0], $0xffff  }
0x147: {  	v16 =	vadd.f32 v56, v16  }
0x148: {  	v58 =	vld.idx.msk [tilespmem:v8+s28+$0x0], $0xffff  }
0x149: {  	v16 =	vadd.f32 v57, v16  }
0x14a: {  	v59 =	vld.idx.msk [tilespmem:v9+s28+$0x0], $0xffff  }
0x14b: {  	v16 =	vadd.f32 v17, v16  }
0x14c: {  	v17 =	vld.idx.msk [tilespmem:v10+s28+$0x0], $0xffff  }
0x14d: {  	v16 =	vadd.f32 v58, v16  }
0x14e: {  	v60 =	vld.idx.msk [tilespmem:v11+s28+$0x0], $0xffff  }
0x14f: {  	v16 =	vadd.f32 v59, v16  }
0x150: {  	v61 =	vld.idx.msk [tilespmem:v12+s28+$0x0], $0xffff  }
0x151: {  	v16 =	vadd.f32 v17, v16  }
0x152: {  	v17 =	vld.idx.msk [tilespmem:v13+s28+$0x0], $0xffff  }
0x153: {  	v16 =	vadd.f32 v60, v16  }
0x154: {  	v62 =	vld.idx.msk [tilespmem:v14+s28+$0x0], $0xffff  }
0x155: {  	v16 =	vadd.f32 v61, v16  }
0x156: {  	v63 =	vld.idx.msk [tilespmem:v15+s28+$0x0], $0xffff  }
0x157: {  	v16 =	vadd.f32 v17, v16;
	_ =	sdelay $0x1  }
0x158: {  	v16 =	vadd.f32 v62, v16;
	_ =	sdelay $0x1  }
0x159: {  	s30 =	sadd.s32 $0x1, s30;
	v16 =	vadd.f32 v63, v16  }
0x15a: {  	p0 =	sne.s32 s30, s8  }
.Ltmp1:
0x15b: {  	[tilespmem:s0+$0x0] =	vst v16;
	(pc) =	sbr.rel @p0 .LBB2_1-.Ltmp1, $4  }
0x15c: {  	[hbm4b:s7+s2] =	stream.linear.scatter [tilespmem:s29], [sflag:$0x3], $0x200, $0x38;
	[tilespmem:$0x8700] =	vst v63  }
0x15d: {  	_ =	swait.ge [sflag:s9], $0x200  }
0x15e: {  	[sflag:s9] =	ssyncset.done $0x0  }
0x15f: {  	[sflag:s9] =	ssyncadd.s32 $0xFFFFFE00  }
0x160: {  	_ =	sfence.sel $0x180000  }
0x161: {  	[bflag:$0x0] =	sbarrier.arrive $0xFFFF  }
0x162: {  	_ =	strace $0x90000047  }
0x163: {  	s0 =	stileid.u32;
	[bflag:$0x2] =	sbarrier.arrive $0xFFFF  }
0x164: {  	p0 =	sne.s32 s0, $0x0;
	s0 =	rddreg [dreg:$0x4]  }
0x165: {  	s0 =	sadd.s32 @!p0 $0x100000, s0  }
0x166: {  	[sflag:s0] =	ssyncadd.tile.s32 @!p0 $0x1;
	_ =	shalt  }
.Lfunc_end2:
_tile_overlayer_lowered:
.L_overlay_start_2:
0x167: {  	(tag) =	ssettag $0x2  }
0x168: {  	s0 =	rddreg [dreg:$0x0];
	s2 =	stileid.u32  }
0x169: {  	s1 =	rddreg [dreg:$0x1];
	p0 =	sne.s32 s2, $0x0  }
0x16a: {  	s3 =	rddreg [dreg:$0x2];
	[bflag:$0x3] =	sbarrier.arrive $0xFFFF;
	s2 =	simm.s32 @!p0 $0x1C03  }
0x16b: {  	[timem:s3], [sflag:s2] =	dma.local @!p0 [hbm:s0], s1  }
0x16c: {  	s0 =	simm.s32 @!p0 $0x3  }
0x16d: {  	_ =	swait.ge @!p0 [sflag:s0], s1  }
0x16e: {  	s1 =	ssub.s32 @!p0 $0x0, s1;
	[sflag:s0] =	ssyncset.done @!p0 $0x0  }
0x16f: {  	[sflag:s0] =	ssyncadd.s32 @!p0 s1  }
0x170: {  	[bflag:$0x3] =	sbarrier.arrive $0xFFFF  }
0x171: {  	_ =	shalt  }

</sc_bundles>
